<compile_context>
chip_gen: v7x
topology: tpu7x:2x2x1
jax: 0.10.2.dev20260603
libtpu: 0.0.44.dev20260713+nightly
codegen_flags: <defaults>
</compile_context>

<pallas_src>
import functools

import jax
import jax.numpy as jnp
import numpy as np
from jax import lax
from jax.experimental import pallas as pl
from jax.experimental.pallas import tpu as pltpu
from jax.experimental.pallas import tpu_sc as plsc

VOCAB = 100000
D = 128
B = 4096
L = 50
H1 = 100
H2 = 50

NC = 2
NS = 16
NW = NC * NS
BPW = B // NW
NBUF = 8

_MESH = plsc.VectorSubcoreMesh(core_axis_name="c", subcore_axis_name="s")

_SLOTS = np.broadcast_to(
    (np.arange(NW, dtype=np.int32)[:, None] // NC * BPW
     + np.arange(BPW, dtype=np.int32)[None, :])[:, :, None],
    (NW, BPW, L)).copy()
_ZEROS = np.zeros((BPW, D), dtype=np.float32)


@functools.partial(
    pl.kernel,
    mesh=_MESH,
    out_type=jax.ShapeDtypeStruct((B, D), jnp.float32),
    compiler_params=pltpu.CompilerParams(use_tc_tiling_on_sc=True),
    scratch_types=[
        pltpu.VMEM((BPW, L), jnp.int32),
        pltpu.VMEM((BPW, L), jnp.int32),
        pltpu.VMEM((L, D), jnp.float32),
        pltpu.VMEM((L, D), jnp.float32),
        pltpu.VMEM((L, D), jnp.float32),
        pltpu.VMEM((L, D), jnp.float32),
        pltpu.VMEM((L, D), jnp.float32),
        pltpu.VMEM((L, D), jnp.float32),
        pltpu.VMEM((L, D), jnp.float32),
        pltpu.VMEM((L, D), jnp.float32),
        pltpu.VMEM_SHARED((NS * BPW, D), jnp.float32),
        pltpu.SemaphoreType.DMA,
        pltpu.SemaphoreType.DMA,
        pltpu.SemaphoreType.DMA,
        pltpu.SemaphoreType.DMA,
        pltpu.SemaphoreType.DMA,
        pltpu.SemaphoreType.DMA,
        pltpu.SemaphoreType.DMA,
        pltpu.SemaphoreType.DMA,
    ],
)
def _sc_pool(emb_hbm, idx_hbm, slot_hbm, zero_hbm, out_hbm, idx_v, slot_v,
             *ring):
    bufs, acc_sh, sems = ring[:8], ring[8], ring[9:]
    sid = lax.axis_index("s")
    wid = sid * NC + lax.axis_index("c")

    pltpu.sync_copy(idx_hbm.at[pl.ds(wid * BPW, BPW)], idx_v)

    for k in range(NBUF):
        pltpu.async_copy(emb_hbm.at[idx_v.at[k]], bufs[k], sems[k])

    pltpu.sync_copy(slot_hbm.at[wid], slot_v)
    pltpu.sync_copy(zero_hbm, acc_sh.at[pl.ds(sid * BPW, BPW)])

    @pl.loop(0, BPW, step=NBUF)
    def _row(r):
        for k in range(NBUF):
            pltpu.make_async_copy(
                emb_hbm.at[idx_v.at[0]], bufs[k], sems[k]).wait()
            pltpu.sync_copy(bufs[k], acc_sh.at[slot_v.at[r + k]], add=True)

            @pl.when(r + k + NBUF < BPW)
            def _(k=k):
                pltpu.async_copy(
                    emb_hbm.at[idx_v.at[r + k + NBUF]], bufs[k], sems[k])

    pltpu.sync_copy(acc_sh.at[pl.ds(sid * BPW, BPW)],
                    out_hbm.at[pl.ds(wid * BPW, BPW)])


def _mlp_body(x_ref, w1_ref, b1_ref, w2_ref, b2_ref, o_ref):
    x = x_ref[...] * jnp.float32(1.0 / L)
    h = jnp.dot(x, w1_ref[...], preferred_element_type=jnp.float32)
    h = jnp.maximum(h + b1_ref[...], 0.0)
    logits = jnp.dot(h, w2_ref[...], preferred_element_type=jnp.float32)
    logits = logits + b2_ref[...]
    m = jnp.max(logits, axis=1, keepdims=True)
    s = logits - m
    lse = jnp.log(jnp.sum(jnp.exp(s), axis=1, keepdims=True))
    o_ref[...] = s - lse


_MLP_BLOCK = 1024


def _mlp(pooled, W1, b1, W2, b2):
    sb = pooled.shape[0]
    grid = (sb // _MLP_BLOCK,)
    return pl.pallas_call(
        _mlp_body,
        grid=grid,
        in_specs=[
            pl.BlockSpec((_MLP_BLOCK, D), lambda i: (i, 0)),
            pl.BlockSpec((D, H1), lambda i: (0, 0)),
            pl.BlockSpec((1, H1), lambda i: (0, 0)),
            pl.BlockSpec((H1, H2), lambda i: (0, 0)),
            pl.BlockSpec((1, H2), lambda i: (0, 0)),
        ],
        out_specs=pl.BlockSpec((_MLP_BLOCK, H2), lambda i: (i, 0)),
        out_shape=jax.ShapeDtypeStruct((sb, H2), jnp.float32),
    )(pooled, W1, b1, W2, b2)


def kernel(index_list, emb, W1, b1, W2, b2):
    pooled = _sc_pool(emb, index_list.astype(jnp.int32), _SLOTS, _ZEROS)
    return _mlp(pooled, W1, b1.reshape(1, H1), W2, b2.reshape(1, H2))

# --- scband reference (transcript-rebuilt; emitter-appended) ---
"""Pipeline reference for scband-feed-forward-nn-1486058684811 (READ-ONLY COPY).

The authoritative reference and input builder live on the scoring server;
editing this copy changes nothing except your own understanding.
"""

import jax, jax.numpy as jnp
import numpy as np

VOCAB = 100000
EMBED_DIM = 128
BATCH = 4096
HIST = 50
H1 = 100
H2 = 50

def setup_inputs(seed: int = 0) -> dict:
    key = jax.random.key(seed)
    k1, k2, k3, k4, k5, k6 = jax.random.split(key, 6)
    index_list = jax.random.randint(k1, (BATCH, HIST), 0, VOCAB, dtype=jnp.int64 if jax.config.jax_enable_x64 else jnp.int32)
    emb = jax.random.normal(k2, (VOCAB, EMBED_DIM), dtype=jnp.float32) * 0.02
    W1 = jax.random.normal(k3, (EMBED_DIM, H1), dtype=jnp.float32) * (1.0 / np.sqrt(EMBED_DIM))
    b1 = jnp.zeros((H1,), dtype=jnp.float32)
    W2 = jax.random.normal(k4, (H1, H2), dtype=jnp.float32) * (1.0 / np.sqrt(H1))
    b2 = jnp.zeros((H2,), dtype=jnp.float32)
    return {"index_list": index_list, "emb": emb, "W1": W1, "b1": b1, "W2": W2, "b2": b2}

def reference(index_list, emb, W1, b1, W2, b2):
    # Embedding lookup: [B, L, D]
    bow_v = jnp.take(emb, index_list, axis=0)
    # Mean-pool over history (bag-of-words): [B, D]
    bow_v = jnp.mean(bow_v, axis=1)
    # linear1 + relu
    out = jax.nn.relu(bow_v @ W1 + b1)
    # linear2 + log_softmax
    logits = out @ W2 + b2
    log_probs = jax.nn.log_softmax(logits, axis=1)
    return log_probs

if __name__ == "__main__":
    import jax
    _d = setup_inputs()
    print(jax.jit(kernel)(*tuple(_d.values())))

</pallas_src>

<mosaic_0001>
#map = affine_map<(d0, d1) -> (0, 0)>
#map1 = affine_map<(d0, d1) -> (0, 0, 0)>
module attributes {stable_mosaic.version = 14 : i64} {
  func.func @_sc_pool(%arg0: i32, %arg1: i32, %arg2: memref<100000x128xf32, #tpu.memory_space<hbm>>, %arg3: memref<4096x50xi32, #tpu.memory_space<hbm>>, %arg4: memref<32x128x50xi32, #tpu.memory_space<hbm>>, %arg5: memref<128x128xf32, #tpu.memory_space<hbm>>, %arg6: memref<4096x128xf32, #tpu.memory_space<hbm>>, %arg7: memref<128x50xi32, #tpu.memory_space<vmem>>, %arg8: memref<128x50xi32, #tpu.memory_space<vmem>>, %arg9: memref<50x128xf32, #tpu.memory_space<vmem>>, %arg10: memref<50x128xf32, #tpu.memory_space<vmem>>, %arg11: memref<50x128xf32, #tpu.memory_space<vmem>>, %arg12: memref<50x128xf32, #tpu.memory_space<vmem>>, %arg13: memref<50x128xf32, #tpu.memory_space<vmem>>, %arg14: memref<50x128xf32, #tpu.memory_space<vmem>>, %arg15: memref<50x128xf32, #tpu.memory_space<vmem>>, %arg16: memref<50x128xf32, #tpu.memory_space<vmem>>, %arg17: memref<2048x128xf32, #tpu.memory_space<vmem_shared>>, %arg18: memref<!tpu.dma_semaphore, #tpu.memory_space<semaphore_mem>>, %arg19: memref<!tpu.dma_semaphore, #tpu.memory_space<semaphore_mem>>, %arg20: memref<!tpu.dma_semaphore, #tpu.memory_space<semaphore_mem>>, %arg21: memref<!tpu.dma_semaphore, #tpu.memory_space<semaphore_mem>>, %arg22: memref<!tpu.dma_semaphore, #tpu.memory_space<semaphore_mem>>, %arg23: memref<!tpu.dma_semaphore, #tpu.memory_space<semaphore_mem>>, %arg24: memref<!tpu.dma_semaphore, #tpu.memory_space<semaphore_mem>>, %arg25: memref<!tpu.dma_semaphore, #tpu.memory_space<semaphore_mem>>) attributes {dimension_semantics = [#tpu.dimension_semantics<core_parallel>, #tpu.dimension_semantics<subcore_parallel>], iteration_bounds = array<i64: 2, 16>, scalar_prefetch = 0 : i64, scratch_operands = 19 : i64, tpu.core_type = #tpu.core_type<sc_vector_subcore>, window_params = [{transform_indices = #map}, {transform_indices = #map}, {transform_indices = #map1}, {transform_indices = #map}, {transform_indices = #map}]} {
    %mul3A = arith.constant 2 : i32
    %mul3A_0 = arith.muli %arg1, %mul3A : i32
    %add3A = arith.addi %mul3A_0, %arg0 : i32
    %mul3A_1 = arith.constant 128 : i32
    %mul3A_2 = arith.muli %add3A, %mul3A_1 : i32
    "tpu.region"() ({
      %run_scoped3A = tpu.sem_alloc : memref<!tpu.dma_semaphore, #tpu.memory_space<semaphore_mem>>
      %dma_start3A_68 = arith.constant 0 : i32
      %dma_start3A_69 = tpu.memref_slice %arg3[%mul3A_2, %dma_start3A_68] : memref<4096x50xi32, #tpu.memory_space<hbm>> -> memref<128x50xi32, #tpu.memory_space<hbm>>
      %dma_start3A_70 = arith.constant 0 : i32
      %dma_start3A_71 = tpu.memref_slice %arg3[%mul3A_2, %dma_start3A_70] : memref<4096x50xi32, #tpu.memory_space<hbm>> -> memref<128x50xi32, #tpu.memory_space<hbm>>
      tpu.enqueue_dma source(%dma_start3A_71 : memref<128x50xi32, #tpu.memory_space<hbm>>) target(%arg7 : memref<128x50xi32, #tpu.memory_space<vmem>>) target_semaphore(%run_scoped3A : memref<!tpu.dma_semaphore, #tpu.memory_space<semaphore_mem>>)
      %dma_wait3A = arith.constant 0 : i32
      %dma_wait3A_72 = tpu.memref_slice %arg3[%mul3A_2, %dma_wait3A] : memref<4096x50xi32, #tpu.memory_space<hbm>> -> memref<128x50xi32, #tpu.memory_space<hbm>>
      %dma_wait3A_73 = arith.constant 0 : i32
      %dma_wait3A_74 = tpu.memref_slice %arg3[%mul3A_2, %dma_wait3A_73] : memref<4096x50xi32, #tpu.memory_space<hbm>> -> memref<128x50xi32, #tpu.memory_space<hbm>>
      tpu.wait_dma2 semaphore(%run_scoped3A : memref<!tpu.dma_semaphore, #tpu.memory_space<semaphore_mem>>) src(%dma_wait3A_74 : memref<128x50xi32, #tpu.memory_space<hbm>>) dst(%arg7 : memref<128x50xi32, #tpu.memory_space<vmem>>)
      tpu.yield
    }) : () -> ()
    %dma_start3A = arith.constant 0 : i32
    %dma_start3A_3 = arith.constant 0 : i32
    %dma_start3A_4 = tpu.memref_slice %arg7[%dma_start3A, %dma_start3A_3] : memref<128x50xi32, #tpu.memory_space<vmem>> -> memref<1x50xi32, #tpu.memory_space<vmem>>
    %dma_start3A_5 = tpu.memref_squeeze %dma_start3A_4 : memref<1x50xi32, #tpu.memory_space<vmem>> -> memref<50xi32, #tpu.memory_space<vmem>>
    %dma_start3A_6 = arith.constant 0 : i32
    %dma_start3A_7 = arith.constant 0 : i32
    %dma_start3A_8 = tpu.memref_slice %arg2[%dma_start3A_6, %dma_start3A_7] : memref<100000x128xf32, #tpu.memory_space<hbm>> -> memref<100000x128xf32, #tpu.memory_space<hbm>>
    tpu.enqueue_indirect_dma source(%dma_start3A_8 : memref<100000x128xf32, #tpu.memory_space<hbm>>) target(%arg9 : memref<50x128xf32, #tpu.memory_space<vmem>>) offsets(%dma_start3A_5 : memref<50xi32, #tpu.memory_space<vmem>>) semaphore(%arg18 : memref<!tpu.dma_semaphore, #tpu.memory_space<semaphore_mem>>)
    %dma_start3A_9 = arith.constant 1 : i32
    %dma_start3A_10 = arith.constant 0 : i32
    %dma_start3A_11 = tpu.memref_slice %arg7[%dma_start3A_9, %dma_start3A_10] : memref<128x50xi32, #tpu.memory_space<vmem>> -> memref<1x50xi32, #tpu.memory_space<vmem>>
    %dma_start3A_12 = tpu.memref_squeeze %dma_start3A_11 : memref<1x50xi32, #tpu.memory_space<vmem>> -> memref<50xi32, #tpu.memory_space<vmem>>
    %dma_start3A_13 = arith.constant 0 : i32
    %dma_start3A_14 = arith.constant 0 : i32
    %dma_start3A_15 = tpu.memref_slice %arg2[%dma_start3A_13, %dma_start3A_14] : memref<100000x128xf32, #tpu.memory_space<hbm>> -> memref<100000x128xf32, #tpu.memory_space<hbm>>
    tpu.enqueue_indirect_dma source(%dma_start3A_15 : memref<100000x128xf32, #tpu.memory_space<hbm>>) target(%arg10 : memref<50x128xf32, #tpu.memory_space<vmem>>) offsets(%dma_start3A_12 : memref<50xi32, #tpu.memory_space<vmem>>) semaphore(%arg19 : memref<!tpu.dma_semaphore, #tpu.memory_space<semaphore_mem>>)
    %dma_start3A_16 = arith.constant 2 : i32
    %dma_start3A_17 = arith.constant 0 : i32
    %dma_start3A_18 = tpu.memref_slice %arg7[%dma_start3A_16, %dma_start3A_17] : memref<128x50xi32, #tpu.memory_space<vmem>> -> memref<1x50xi32, #tpu.memory_space<vmem>>
    %dma_start3A_19 = tpu.memref_squeeze %dma_start3A_18 : memref<1x50xi32, #tpu.memory_space<vmem>> -> memref<50xi32, #tpu.memory_space<vmem>>
    %dma_start3A_20 = arith.constant 0 : i32
    %dma_start3A_21 = arith.constant 0 : i32
    %dma_start3A_22 = tpu.memref_slice %arg2[%dma_start3A_20, %dma_start3A_21] : memref<100000x128xf32, #tpu.memory_space<hbm>> -> memref<100000x128xf32, #tpu.memory_space<hbm>>
    tpu.enqueue_indirect_dma source(%dma_start3A_22 : memref<100000x128xf32, #tpu.memory_space<hbm>>) target(%arg11 : memref<50x128xf32, #tpu.memory_space<vmem>>) offsets(%dma_start3A_19 : memref<50xi32, #tpu.memory_space<vmem>>) semaphore(%arg20 : memref<!tpu.dma_semaphore, #tpu.memory_space<semaphore_mem>>)
    %dma_start3A_23 = arith.constant 3 : i32
    %dma_start3A_24 = arith.constant 0 : i32
    %dma_start3A_25 = tpu.memref_slice %arg7[%dma_start3A_23, %dma_start3A_24] : memref<128x50xi32, #tpu.memory_space<vmem>> -> memref<1x50xi32, #tpu.memory_space<vmem>>
    %dma_start3A_26 = tpu.memref_squeeze %dma_start3A_25 : memref<1x50xi32, #tpu.memory_space<vmem>> -> memref<50xi32, #tpu.memory_space<vmem>>
    %dma_start3A_27 = arith.constant 0 : i32
    %dma_start3A_28 = arith.constant 0 : i32
    %dma_start3A_29 = tpu.memref_slice %arg2[%dma_start3A_27, %dma_start3A_28] : memref<100000x128xf32, #tpu.memory_space<hbm>> -> memref<100000x128xf32, #tpu.memory_space<hbm>>
    tpu.enqueue_indirect_dma source(%dma_start3A_29 : memref<100000x128xf32, #tpu.memory_space<hbm>>) target(%arg12 : memref<50x128xf32, #tpu.memory_space<vmem>>) offsets(%dma_start3A_26 : memref<50xi32, #tpu.memory_space<vmem>>) semaphore(%arg21 : memref<!tpu.dma_semaphore, #tpu.memory_space<semaphore_mem>>)
    %dma_start3A_30 = arith.constant 4 : i32
    %dma_start3A_31 = arith.constant 0 : i32
    %dma_start3A_32 = tpu.memref_slice %arg7[%dma_start3A_30, %dma_start3A_31] : memref<128x50xi32, #tpu.memory_space<vmem>> -> memref<1x50xi32, #tpu.memory_space<vmem>>
    %dma_start3A_33 = tpu.memref_squeeze %dma_start3A_32 : memref<1x50xi32, #tpu.memory_space<vmem>> -> memref<50xi32, #tpu.memory_space<vmem>>
    %dma_start3A_34 = arith.constant 0 : i32
    %dma_start3A_35 = arith.constant 0 : i32
    %dma_start3A_36 = tpu.memref_slice %arg2[%dma_start3A_34, %dma_start3A_35] : memref<100000x128xf32, #tpu.memory_space<hbm>> -> memref<100000x128xf32, #tpu.memory_space<hbm>>
    tpu.enqueue_indirect_dma source(%dma_start3A_36 : memref<100000x128xf32, #tpu.memory_space<hbm>>) target(%arg13 : memref<50x128xf32, #tpu.memory_space<vmem>>) offsets(%dma_start3A_33 : memref<50xi32, #tpu.memory_space<vmem>>) semaphore(%arg22 : memref<!tpu.dma_semaphore, #tpu.memory_space<semaphore_mem>>)
    %dma_start3A_37 = arith.constant 5 : i32
    %dma_start3A_38 = arith.constant 0 : i32
    %dma_start3A_39 = tpu.memref_slice %arg7[%dma_start3A_37, %dma_start3A_38] : memref<128x50xi32, #tpu.memory_space<vmem>> -> memref<1x50xi32, #tpu.memory_space<vmem>>
    %dma_start3A_40 = tpu.memref_squeeze %dma_start3A_39 : memref<1x50xi32, #tpu.memory_space<vmem>> -> memref<50xi32, #tpu.memory_space<vmem>>
    %dma_start3A_41 = arith.constant 0 : i32
    %dma_start3A_42 = arith.constant 0 : i32
    %dma_start3A_43 = tpu.memref_slice %arg2[%dma_start3A_41, %dma_start3A_42] : memref<100000x128xf32, #tpu.memory_space<hbm>> -> memref<100000x128xf32, #tpu.memory_space<hbm>>
    tpu.enqueue_indirect_dma source(%dma_start3A_43 : memref<100000x128xf32, #tpu.memory_space<hbm>>) target(%arg14 : memref<50x128xf32, #tpu.memory_space<vmem>>) offsets(%dma_start3A_40 : memref<50xi32, #tpu.memory_space<vmem>>) semaphore(%arg23 : memref<!tpu.dma_semaphore, #tpu.memory_space<semaphore_mem>>)
    %dma_start3A_44 = arith.constant 6 : i32
    %dma_start3A_45 = arith.constant 0 : i32
    %dma_start3A_46 = tpu.memref_slice %arg7[%dma_start3A_44, %dma_start3A_45] : memref<128x50xi32, #tpu.memory_space<vmem>> -> memref<1x50xi32, #tpu.memory_space<vmem>>
    %dma_start3A_47 = tpu.memref_squeeze %dma_start3A_46 : memref<1x50xi32, #tpu.memory_space<vmem>> -> memref<50xi32, #tpu.memory_space<vmem>>
    %dma_start3A_48 = arith.constant 0 : i32
    %dma_start3A_49 = arith.constant 0 : i32
    %dma_start3A_50 = tpu.memref_slice %arg2[%dma_start3A_48, %dma_start3A_49] : memref<100000x128xf32, #tpu.memory_space<hbm>> -> memref<100000x128xf32, #tpu.memory_space<hbm>>
    tpu.enqueue_indirect_dma source(%dma_start3A_50 : memref<100000x128xf32, #tpu.memory_space<hbm>>) target(%arg15 : memref<50x128xf32, #tpu.memory_space<vmem>>) offsets(%dma_start3A_47 : memref<50xi32, #tpu.memory_space<vmem>>) semaphore(%arg24 : memref<!tpu.dma_semaphore, #tpu.memory_space<semaphore_mem>>)
    %dma_start3A_51 = arith.constant 7 : i32
    %dma_start3A_52 = arith.constant 0 : i32
    %dma_start3A_53 = tpu.memref_slice %arg7[%dma_start3A_51, %dma_start3A_52] : memref<128x50xi32, #tpu.memory_space<vmem>> -> memref<1x50xi32, #tpu.memory_space<vmem>>
    %dma_start3A_54 = tpu.memref_squeeze %dma_start3A_53 : memref<1x50xi32, #tpu.memory_space<vmem>> -> memref<50xi32, #tpu.memory_space<vmem>>
    %dma_start3A_55 = arith.constant 0 : i32
    %dma_start3A_56 = arith.constant 0 : i32
    %dma_start3A_57 = tpu.memref_slice %arg2[%dma_start3A_55, %dma_start3A_56] : memref<100000x128xf32, #tpu.memory_space<hbm>> -> memref<100000x128xf32, #tpu.memory_space<hbm>>
    tpu.enqueue_indirect_dma source(%dma_start3A_57 : memref<100000x128xf32, #tpu.memory_space<hbm>>) target(%arg16 : memref<50x128xf32, #tpu.memory_space<vmem>>) offsets(%dma_start3A_54 : memref<50xi32, #tpu.memory_space<vmem>>) semaphore(%arg25 : memref<!tpu.dma_semaphore, #tpu.memory_space<semaphore_mem>>)
    "tpu.region"() ({
      %run_scoped3A = tpu.sem_alloc : memref<!tpu.dma_semaphore, #tpu.memory_space<semaphore_mem>>
      %dma_start3A_68 = arith.constant 0 : i32
      %dma_start3A_69 = arith.constant 0 : i32
      %dma_start3A_70 = tpu.memref_slice %arg4[%add3A, %dma_start3A_68, %dma_start3A_69] : memref<32x128x50xi32, #tpu.memory_space<hbm>> -> memref<1x128x50xi32, #tpu.memory_space<hbm>>
      %dma_start3A_71 = tpu.memref_squeeze %dma_start3A_70 : memref<1x128x50xi32, #tpu.memory_space<hbm>> -> memref<128x50xi32, #tpu.memory_space<hbm>>
      %dma_start3A_72 = arith.constant 0 : i32
      %dma_start3A_73 = arith.constant 0 : i32
      %dma_start3A_74 = tpu.memref_slice %arg4[%add3A, %dma_start3A_72, %dma_start3A_73] : memref<32x128x50xi32, #tpu.memory_space<hbm>> -> memref<1x128x50xi32, #tpu.memory_space<hbm>>
      %dma_start3A_75 = tpu.memref_squeeze %dma_start3A_74 : memref<1x128x50xi32, #tpu.memory_space<hbm>> -> memref<128x50xi32, #tpu.memory_space<hbm>>
      tpu.enqueue_dma source(%dma_start3A_75 : memref<128x50xi32, #tpu.memory_space<hbm>>) target(%arg8 : memref<128x50xi32, #tpu.memory_space<vmem>>) target_semaphore(%run_scoped3A : memref<!tpu.dma_semaphore, #tpu.memory_space<semaphore_mem>>)
      %dma_wait3A = arith.constant 0 : i32
      %dma_wait3A_76 = arith.constant 0 : i32
      %dma_wait3A_77 = tpu.memref_slice %arg4[%add3A, %dma_wait3A, %dma_wait3A_76] : memref<32x128x50xi32, #tpu.memory_space<hbm>> -> memref<1x128x50xi32, #tpu.memory_space<hbm>>
      %dma_wait3A_78 = tpu.memref_squeeze %dma_wait3A_77 : memref<1x128x50xi32, #tpu.memory_space<hbm>> -> memref<128x50xi32, #tpu.memory_space<hbm>>
      %dma_wait3A_79 = arith.constant 0 : i32
      %dma_wait3A_80 = arith.constant 0 : i32
      %dma_wait3A_81 = tpu.memref_slice %arg4[%add3A, %dma_wait3A_79, %dma_wait3A_80] : memref<32x128x50xi32, #tpu.memory_space<hbm>> -> memref<1x128x50xi32, #tpu.memory_space<hbm>>
      %dma_wait3A_82 = tpu.memref_squeeze %dma_wait3A_81 : memref<1x128x50xi32, #tpu.memory_space<hbm>> -> memref<128x50xi32, #tpu.memory_space<hbm>>
      tpu.wait_dma2 semaphore(%run_scoped3A : memref<!tpu.dma_semaphore, #tpu.memory_space<semaphore_mem>>) src(%dma_wait3A_82 : memref<128x50xi32, #tpu.memory_space<hbm>>) dst(%arg8 : memref<128x50xi32, #tpu.memory_space<vmem>>)
      tpu.yield
    }) : () -> ()
    %mul3A_58 = arith.constant 128 : i32
    %mul3A_59 = arith.muli %arg1, %mul3A_58 : i32
    "tpu.region"() ({
      %run_scoped3A = tpu.sem_alloc : memref<!tpu.dma_semaphore, #tpu.memory_space<semaphore_mem>>
      %dma_start3A_68 = arith.constant 0 : i32
      %dma_start3A_69 = tpu.memref_slice %arg17[%mul3A_59, %dma_start3A_68] : memref<2048x128xf32, #tpu.memory_space<vmem_shared>> -> memref<128x128xf32, #tpu.memory_space<vmem_shared>>
      tpu.enqueue_dma source(%arg5 : memref<128x128xf32, #tpu.memory_space<hbm>>) target(%dma_start3A_69 : memref<128x128xf32, #tpu.memory_space<vmem_shared>>) target_semaphore(%run_scoped3A : memref<!tpu.dma_semaphore, #tpu.memory_space<semaphore_mem>>)
      %dma_wait3A = arith.constant 0 : i32
      %dma_wait3A_70 = tpu.memref_slice %arg17[%mul3A_59, %dma_wait3A] : memref<2048x128xf32, #tpu.memory_space<vmem_shared>> -> memref<128x128xf32, #tpu.memory_space<vmem_shared>>
      tpu.wait_dma2 semaphore(%run_scoped3A : memref<!tpu.dma_semaphore, #tpu.memory_space<semaphore_mem>>) src(%arg5 : memref<128x128xf32, #tpu.memory_space<hbm>>) dst(%dma_wait3A_70 : memref<128x128xf32, #tpu.memory_space<vmem_shared>>)
      tpu.yield
    }) : () -> ()
    %scan3A = arith.constant 0 : i32
    %scan3A_60 = arith.constant 16 : i32
    %scan3A_61 = arith.addi %scan3A, %scan3A_60 : i32
    %scan3A_62 = arith.constant 1 : i32
    scf.for %scan3A_68 = %scan3A to %scan3A_61 step %scan3A_62  : i32 {
      %mul3A_69 = arith.constant 8 : i32
      %mul3A_70 = arith.muli %scan3A_68, %mul3A_69 : i32
      %add3A_71 = arith.constant 0 : i32
      %add3A_72 = arith.addi %add3A_71, %mul3A_70 : i32
      %dma_wait3A = arith.constant 0 : i32
      %dma_wait3A_73 = arith.constant 0 : i32
      %dma_wait3A_74 = tpu.memref_slice %arg7[%dma_wait3A, %dma_wait3A_73] : memref<128x50xi32, #tpu.memory_space<vmem>> -> memref<1x50xi32, #tpu.memory_space<vmem>>
      %dma_wait3A_75 = tpu.memref_squeeze %dma_wait3A_74 : memref<1x50xi32, #tpu.memory_space<vmem>> -> memref<50xi32, #tpu.memory_space<vmem>>
      %dma_wait3A_76 = arith.constant 0 : i32
      %dma_wait3A_77 = arith.constant 0 : i32
      %dma_wait3A_78 = tpu.memref_slice %arg2[%dma_wait3A_76, %dma_wait3A_77] : memref<100000x128xf32, #tpu.memory_space<hbm>> -> memref<100000x128xf32, #tpu.memory_space<hbm>>
      tpu.wait_indirect_dma semaphore(%arg18 : memref<!tpu.dma_semaphore, #tpu.memory_space<semaphore_mem>>) src(%dma_wait3A_78 : memref<100000x128xf32, #tpu.memory_space<hbm>>) dst(%arg9 : memref<50x128xf32, #tpu.memory_space<vmem>>)
      %add3A_79 = arith.constant 0 : i32
      %add3A_80 = arith.addi %add3A_72, %add3A_79 : i32
      "tpu.region"() ({
        %run_scoped3A = tpu.sem_alloc : memref<!tpu.dma_semaphore, #tpu.memory_space<semaphore_mem>>
        %dma_start3A_213 = arith.constant 0 : i32
        %dma_start3A_214 = tpu.memref_slice %arg8[%add3A_80, %dma_start3A_213] : memref<128x50xi32, #tpu.memory_space<vmem>> -> memref<1x50xi32, #tpu.memory_space<vmem>>
        %dma_start3A_215 = tpu.memref_squeeze %dma_start3A_214 : memref<1x50xi32, #tpu.memory_space<vmem>> -> memref<50xi32, #tpu.memory_space<vmem>>
        %dma_start3A_216 = arith.constant 0 : i32
        %dma_start3A_217 = arith.constant 0 : i32
        %dma_start3A_218 = tpu.memref_slice %arg17[%dma_start3A_216, %dma_start3A_217] : memref<2048x128xf32, #tpu.memory_space<vmem_shared>> -> memref<2048x128xf32, #tpu.memory_space<vmem_shared>>
        tpu.enqueue_indirect_dma source(%arg9 : memref<50x128xf32, #tpu.memory_space<vmem>>) target(%dma_start3A_218 : memref<2048x128xf32, #tpu.memory_space<vmem_shared>>) offsets(%dma_start3A_215 : memref<50xi32, #tpu.memory_space<vmem>>) semaphore(%run_scoped3A : memref<!tpu.dma_semaphore, #tpu.memory_space<semaphore_mem>>) {add = true}
        %dma_wait3A_219 = arith.constant 0 : i32
        %dma_wait3A_220 = tpu.memref_slice %arg8[%add3A_80, %dma_wait3A_219] : memref<128x50xi32, #tpu.memory_space<vmem>> -> memref<1x50xi32, #tpu.memory_space<vmem>>
        %dma_wait3A_221 = tpu.memref_squeeze %dma_wait3A_220 : memref<1x50xi32, #tpu.memory_space<vmem>> -> memref<50xi32, #tpu.memory_space<vmem>>
        %dma_wait3A_222 = arith.constant 0 : i32
        %dma_wait3A_223 = arith.constant 0 : i32
        %dma_wait3A_224 = tpu.memref_slice %arg17[%dma_wait3A_222, %dma_wait3A_223] : memref<2048x128xf32, #tpu.memory_space<vmem_shared>> -> memref<2048x128xf32, #tpu.memory_space<vmem_shared>>
        tpu.wait_indirect_dma semaphore(%run_scoped3A : memref<!tpu.dma_semaphore, #tpu.memory_space<semaphore_mem>>) src(%arg9 : memref<50x128xf32, #tpu.memory_space<vmem>>) dst(%dma_wait3A_224 : memref<2048x128xf32, #tpu.memory_space<vmem_shared>>)
        tpu.yield
      }) : () -> ()
      %add3A_81 = arith.constant 0 : i32
      %add3A_82 = arith.addi %add3A_72, %add3A_81 : i32
      %add3A_83 = arith.constant 8 : i32
      %add3A_84 = arith.addi %add3A_82, %add3A_83 : i32
      %lt3A = arith.constant 128 : i32
      %lt3A_85 = arith.cmpi slt, %add3A_84, %lt3A : i32
      %convert_element_type3A = arith.extui %lt3A_85 : i1 to i32
      %cond3A = arith.constant 0 : i32
      %cond3A_86 = arith.cmpi ne, %convert_element_type3A, %cond3A : i32
      scf.if %cond3A_86 {
        %add3A_213 = arith.constant 0 : i32
        %add3A_214 = arith.addi %add3A_72, %add3A_213 : i32
        %add3A_215 = arith.constant 8 : i32
        %add3A_216 = arith.addi %add3A_214, %add3A_215 : i32
        %dma_start3A_217 = arith.constant 0 : i32
        %dma_start3A_218 = tpu.memref_slice %arg7[%add3A_216, %dma_start3A_217] : memref<128x50xi32, #tpu.memory_space<vmem>> -> memref<1x50xi32, #tpu.memory_space<vmem>>
        %dma_start3A_219 = tpu.memref_squeeze %dma_start3A_218 : memref<1x50xi32, #tpu.memory_space<vmem>> -> memref<50xi32, #tpu.memory_space<vmem>>
        %dma_start3A_220 = arith.constant 0 : i32
        %dma_start3A_221 = arith.constant 0 : i32
        %dma_start3A_222 = tpu.memref_slice %arg2[%dma_start3A_220, %dma_start3A_221] : memref<100000x128xf32, #tpu.memory_space<hbm>> -> memref<100000x128xf32, #tpu.memory_space<hbm>>
        tpu.enqueue_indirect_dma source(%dma_start3A_222 : memref<100000x128xf32, #tpu.memory_space<hbm>>) target(%arg9 : memref<50x128xf32, #tpu.memory_space<vmem>>) offsets(%dma_start3A_219 : memref<50xi32, #tpu.memory_space<vmem>>) semaphore(%arg18 : memref<!tpu.dma_semaphore, #tpu.memory_space<semaphore_mem>>)
      } else {
      }
      %dma_wait3A_87 = arith.constant 0 : i32
      %dma_wait3A_88 = arith.constant 0 : i32
      %dma_wait3A_89 = tpu.memref_slice %arg7[%dma_wait3A_87, %dma_wait3A_88] : memref<128x50xi32, #tpu.memory_space<vmem>> -> memref<1x50xi32, #tpu.memory_space<vmem>>
      %dma_wait3A_90 = tpu.memref_squeeze %dma_wait3A_89 : memref<1x50xi32, #tpu.memory_space<vmem>> -> memref<50xi32, #tpu.memory_space<vmem>>
      %dma_wait3A_91 = arith.constant 0 : i32
      %dma_wait3A_92 = arith.constant 0 : i32
      %dma_wait3A_93 = tpu.memref_slice %arg2[%dma_wait3A_91, %dma_wait3A_92] : memref<100000x128xf32, #tpu.memory_space<hbm>> -> memref<100000x128xf32, #tpu.memory_space<hbm>>
      tpu.wait_indirect_dma semaphore(%arg19 : memref<!tpu.dma_semaphore, #tpu.memory_space<semaphore_mem>>) src(%dma_wait3A_93 : memref<100000x128xf32, #tpu.memory_space<hbm>>) dst(%arg10 : memref<50x128xf32, #tpu.memory_space<vmem>>)
      %add3A_94 = arith.constant 1 : i32
      %add3A_95 = arith.addi %add3A_72, %add3A_94 : i32
      "tpu.region"() ({
        %run_scoped3A = tpu.sem_alloc : memref<!tpu.dma_semaphore, #tpu.memory_space<semaphore_mem>>
        %dma_start3A_213 = arith.constant 0 : i32
        %dma_start3A_214 = tpu.memref_slice %arg8[%add3A_95, %dma_start3A_213] : memref<128x50xi32, #tpu.memory_space<vmem>> -> memref<1x50xi32, #tpu.memory_space<vmem>>
        %dma_start3A_215 = tpu.memref_squeeze %dma_start3A_214 : memref<1x50xi32, #tpu.memory_space<vmem>> -> memref<50xi32, #tpu.memory_space<vmem>>
        %dma_start3A_216 = arith.constant 0 : i32
        %dma_start3A_217 = arith.constant 0 : i32
        %dma_start3A_218 = tpu.memref_slice %arg17[%dma_start3A_216, %dma_start3A_217] : memref<2048x128xf32, #tpu.memory_space<vmem_shared>> -> memref<2048x128xf32, #tpu.memory_space<vmem_shared>>
        tpu.enqueue_indirect_dma source(%arg10 : memref<50x128xf32, #tpu.memory_space<vmem>>) target(%dma_start3A_218 : memref<2048x128xf32, #tpu.memory_space<vmem_shared>>) offsets(%dma_start3A_215 : memref<50xi32, #tpu.memory_space<vmem>>) semaphore(%run_scoped3A : memref<!tpu.dma_semaphore, #tpu.memory_space<semaphore_mem>>) {add = true}
        %dma_wait3A_219 = arith.constant 0 : i32
        %dma_wait3A_220 = tpu.memref_slice %arg8[%add3A_95, %dma_wait3A_219] : memref<128x50xi32, #tpu.memory_space<vmem>> -> memref<1x50xi32, #tpu.memory_space<vmem>>
        %dma_wait3A_221 = tpu.memref_squeeze %dma_wait3A_220 : memref<1x50xi32, #tpu.memory_space<vmem>> -> memref<50xi32, #tpu.memory_space<vmem>>
        %dma_wait3A_222 = arith.constant 0 : i32
        %dma_wait3A_223 = arith.constant 0 : i32
        %dma_wait3A_224 = tpu.memref_slice %arg17[%dma_wait3A_222, %dma_wait3A_223] : memref<2048x128xf32, #tpu.memory_space<vmem_shared>> -> memref<2048x128xf32, #tpu.memory_space<vmem_shared>>
        tpu.wait_indirect_dma semaphore(%run_scoped3A : memref<!tpu.dma_semaphore, #tpu.memory_space<semaphore_mem>>) src(%arg10 : memref<50x128xf32, #tpu.memory_space<vmem>>) dst(%dma_wait3A_224 : memref<2048x128xf32, #tpu.memory_space<vmem_shared>>)
        tpu.yield
      }) : () -> ()
      %add3A_96 = arith.constant 1 : i32
      %add3A_97 = arith.addi %add3A_72, %add3A_96 : i32
      %add3A_98 = arith.constant 8 : i32
      %add3A_99 = arith.addi %add3A_97, %add3A_98 : i32
      %lt3A_100 = arith.constant 128 : i32
      %lt3A_101 = arith.cmpi slt, %add3A_99, %lt3A_100 : i32
      %convert_element_type3A_102 = arith.extui %lt3A_101 : i1 to i32
      %cond3A_103 = arith.constant 0 : i32
      %cond3A_104 = arith.cmpi ne, %convert_element_type3A_102, %cond3A_103 : i32
      scf.if %cond3A_104 {
        %add3A_213 = arith.constant 1 : i32
        %add3A_214 = arith.addi %add3A_72, %add3A_213 : i32
        %add3A_215 = arith.constant 8 : i32
        %add3A_216 = arith.addi %add3A_214, %add3A_215 : i32
        %dma_start3A_217 = arith.constant 0 : i32
        %dma_start3A_218 = tpu.memref_slice %arg7[%add3A_216, %dma_start3A_217] : memref<128x50xi32, #tpu.memory_space<vmem>> -> memref<1x50xi32, #tpu.memory_space<vmem>>
        %dma_start3A_219 = tpu.memref_squeeze %dma_start3A_218 : memref<1x50xi32, #tpu.memory_space<vmem>> -> memref<50xi32, #tpu.memory_space<vmem>>
        %dma_start3A_220 = arith.constant 0 : i32
        %dma_start3A_221 = arith.constant 0 : i32
        %dma_start3A_222 = tpu.memref_slice %arg2[%dma_start3A_220, %dma_start3A_221] : memref<100000x128xf32, #tpu.memory_space<hbm>> -> memref<100000x128xf32, #tpu.memory_space<hbm>>
        tpu.enqueue_indirect_dma source(%dma_start3A_222 : memref<100000x128xf32, #tpu.memory_space<hbm>>) target(%arg10 : memref<50x128xf32, #tpu.memory_space<vmem>>) offsets(%dma_start3A_219 : memref<50xi32, #tpu.memory_space<vmem>>) semaphore(%arg19 : memref<!tpu.dma_semaphore, #tpu.memory_space<semaphore_mem>>)
      } else {
      }
      %dma_wait3A_105 = arith.constant 0 : i32
      %dma_wait3A_106 = arith.constant 0 : i32
      %dma_wait3A_107 = tpu.memref_slice %arg7[%dma_wait3A_105, %dma_wait3A_106] : memref<128x50xi32, #tpu.memory_space<vmem>> -> memref<1x50xi32, #tpu.memory_space<vmem>>
      %dma_wait3A_108 = tpu.memref_squeeze %dma_wait3A_107 : memref<1x50xi32, #tpu.memory_space<vmem>> -> memref<50xi32, #tpu.memory_space<vmem>>
      %dma_wait3A_109 = arith.constant 0 : i32
      %dma_wait3A_110 = arith.constant 0 : i32
      %dma_wait3A_111 = tpu.memref_slice %arg2[%dma_wait3A_109, %dma_wait3A_110] : memref<100000x128xf32, #tpu.memory_space<hbm>> -> memref<100000x128xf32, #tpu.memory_space<hbm>>
      tpu.wait_indirect_dma semaphore(%arg20 : memref<!tpu.dma_semaphore, #tpu.memory_space<semaphore_mem>>) src(%dma_wait3A_111 : memref<100000x128xf32, #tpu.memory_space<hbm>>) dst(%arg11 : memref<50x128xf32, #tpu.memory_space<vmem>>)
      %add3A_112 = arith.constant 2 : i32
      %add3A_113 = arith.addi %add3A_72, %add3A_112 : i32
      "tpu.region"() ({
        %run_scoped3A = tpu.sem_alloc : memref<!tpu.dma_semaphore, #tpu.memory_space<semaphore_mem>>
        %dma_start3A_213 = arith.constant 0 : i32
        %dma_start3A_214 = tpu.memref_slice %arg8[%add3A_113, %dma_start3A_213] : memref<128x50xi32, #tpu.memory_space<vmem>> -> memref<1x50xi32, #tpu.memory_space<vmem>>
        %dma_start3A_215 = tpu.memref_squeeze %dma_start3A_214 : memref<1x50xi32, #tpu.memory_space<vmem>> -> memref<50xi32, #tpu.memory_space<vmem>>
        %dma_start3A_216 = arith.constant 0 : i32
        %dma_start3A_217 = arith.constant 0 : i32
        %dma_start3A_218 = tpu.memref_slice %arg17[%dma_start3A_216, %dma_start3A_217] : memref<2048x128xf32, #tpu.memory_space<vmem_shared>> -> memref<2048x128xf32, #tpu.memory_space<vmem_shared>>
        tpu.enqueue_indirect_dma source(%arg11 : memref<50x128xf32, #tpu.memory_space<vmem>>) target(%dma_start3A_218 : memref<2048x128xf32, #tpu.memory_space<vmem_shared>>) offsets(%dma_start3A_215 : memref<50xi32, #tpu.memory_space<vmem>>) semaphore(%run_scoped3A : memref<!tpu.dma_semaphore, #tpu.memory_space<semaphore_mem>>) {add = true}
        %dma_wait3A_219 = arith.constant 0 : i32
        %dma_wait3A_220 = tpu.memref_slice %arg8[%add3A_113, %dma_wait3A_219] : memref<128x50xi32, #tpu.memory_space<vmem>> -> memref<1x50xi32, #tpu.memory_space<vmem>>
        %dma_wait3A_221 = tpu.memref_squeeze %dma_wait3A_220 : memref<1x50xi32, #tpu.memory_space<vmem>> -> memref<50xi32, #tpu.memory_space<vmem>>
        %dma_wait3A_222 = arith.constant 0 : i32
        %dma_wait3A_223 = arith.constant 0 : i32
        %dma_wait3A_224 = tpu.memref_slice %arg17[%dma_wait3A_222, %dma_wait3A_223] : memref<2048x128xf32, #tpu.memory_space<vmem_shared>> -> memref<2048x128xf32, #tpu.memory_space<vmem_shared>>
        tpu.wait_indirect_dma semaphore(%run_scoped3A : memref<!tpu.dma_semaphore, #tpu.memory_space<semaphore_mem>>) src(%arg11 : memref<50x128xf32, #tpu.memory_space<vmem>>) dst(%dma_wait3A_224 : memref<2048x128xf32, #tpu.memory_space<vmem_shared>>)
        tpu.yield
      }) : () -> ()
      %add3A_114 = arith.constant 2 : i32
      %add3A_115 = arith.addi %add3A_72, %add3A_114 : i32
      %add3A_116 = arith.constant 8 : i32
      %add3A_117 = arith.addi %add3A_115, %add3A_116 : i32
      %lt3A_118 = arith.constant 128 : i32
      %lt3A_119 = arith.cmpi slt, %add3A_117, %lt3A_118 : i32
      %convert_element_type3A_120 = arith.extui %lt3A_119 : i1 to i32
      %cond3A_121 = arith.constant 0 : i32
      %cond3A_122 = arith.cmpi ne, %convert_element_type3A_120, %cond3A_121 : i32
      scf.if %cond3A_122 {
        %add3A_213 = arith.constant 2 : i32
        %add3A_214 = arith.addi %add3A_72, %add3A_213 : i32
        %add3A_215 = arith.constant 8 : i32
        %add3A_216 = arith.addi %add3A_214, %add3A_215 : i32
        %dma_start3A_217 = arith.constant 0 : i32
        %dma_start3A_218 = tpu.memref_slice %arg7[%add3A_216, %dma_start3A_217] : memref<128x50xi32, #tpu.memory_space<vmem>> -> memref<1x50xi32, #tpu.memory_space<vmem>>
        %dma_start3A_219 = tpu.memref_squeeze %dma_start3A_218 : memref<1x50xi32, #tpu.memory_space<vmem>> -> memref<50xi32, #tpu.memory_space<vmem>>
        %dma_start3A_220 = arith.constant 0 : i32
        %dma_start3A_221 = arith.constant 0 : i32
        %dma_start3A_222 = tpu.memref_slice %arg2[%dma_start3A_220, %dma_start3A_221] : memref<100000x128xf32, #tpu.memory_space<hbm>> -> memref<100000x128xf32, #tpu.memory_space<hbm>>
        tpu.enqueue_indirect_dma source(%dma_start3A_222 : memref<100000x128xf32, #tpu.memory_space<hbm>>) target(%arg11 : memref<50x128xf32, #tpu.memory_space<vmem>>) offsets(%dma_start3A_219 : memref<50xi32, #tpu.memory_space<vmem>>) semaphore(%arg20 : memref<!tpu.dma_semaphore, #tpu.memory_space<semaphore_mem>>)
      } else {
      }
      %dma_wait3A_123 = arith.constant 0 : i32
      %dma_wait3A_124 = arith.constant 0 : i32
      %dma_wait3A_125 = tpu.memref_slice %arg7[%dma_wait3A_123, %dma_wait3A_124] : memref<128x50xi32, #tpu.memory_space<vmem>> -> memref<1x50xi32, #tpu.memory_space<vmem>>
      %dma_wait3A_126 = tpu.memref_squeeze %dma_wait3A_125 : memref<1x50xi32, #tpu.memory_space<vmem>> -> memref<50xi32, #tpu.memory_space<vmem>>
      %dma_wait3A_127 = arith.constant 0 : i32
      %dma_wait3A_128 = arith.constant 0 : i32
      %dma_wait3A_129 = tpu.memref_slice %arg2[%dma_wait3A_127, %dma_wait3A_128] : memref<100000x128xf32, #tpu.memory_space<hbm>> -> memref<100000x128xf32, #tpu.memory_space<hbm>>
      tpu.wait_indirect_dma semaphore(%arg21 : memref<!tpu.dma_semaphore, #tpu.memory_space<semaphore_mem>>) src(%dma_wait3A_129 : memref<100000x128xf32, #tpu.memory_space<hbm>>) dst(%arg12 : memref<50x128xf32, #tpu.memory_space<vmem>>)
      %add3A_130 = arith.constant 3 : i32
      %add3A_131 = arith.addi %add3A_72, %add3A_130 : i32
      "tpu.region"() ({
        %run_scoped3A = tpu.sem_alloc : memref<!tpu.dma_semaphore, #tpu.memory_space<semaphore_mem>>
        %dma_start3A_213 = arith.constant 0 : i32
        %dma_start3A_214 = tpu.memref_slice %arg8[%add3A_131, %dma_start3A_213] : memref<128x50xi32, #tpu.memory_space<vmem>> -> memref<1x50xi32, #tpu.memory_space<vmem>>
        %dma_start3A_215 = tpu.memref_squeeze %dma_start3A_214 : memref<1x50xi32, #tpu.memory_space<vmem>> -> memref<50xi32, #tpu.memory_space<vmem>>
        %dma_start3A_216 = arith.constant 0 : i32
        %dma_start3A_217 = arith.constant 0 : i32
        %dma_start3A_218 = tpu.memref_slice %arg17[%dma_start3A_216, %dma_start3A_217] : memref<2048x128xf32, #tpu.memory_space<vmem_shared>> -> memref<2048x128xf32, #tpu.memory_space<vmem_shared>>
        tpu.enqueue_indirect_dma source(%arg12 : memref<50x128xf32, #tpu.memory_space<vmem>>) target(%dma_start3A_218 : memref<2048x128xf32, #tpu.memory_space<vmem_shared>>) offsets(%dma_start3A_215 : memref<50xi32, #tpu.memory_space<vmem>>) semaphore(%run_scoped3A : memref<!tpu.dma_semaphore, #tpu.memory_space<semaphore_mem>>) {add = true}
        %dma_wait3A_219 = arith.constant 0 : i32
        %dma_wait3A_220 = tpu.memref_slice %arg8[%add3A_131, %dma_wait3A_219] : memref<128x50xi32, #tpu.memory_space<vmem>> -> memref<1x50xi32, #tpu.memory_space<vmem>>
        %dma_wait3A_221 = tpu.memref_squeeze %dma_wait3A_220 : memref<1x50xi32, #tpu.memory_space<vmem>> -> memref<50xi32, #tpu.memory_space<vmem>>
        %dma_wait3A_222 = arith.constant 0 : i32
        %dma_wait3A_223 = arith.constant 0 : i32
        %dma_wait3A_224 = tpu.memref_slice %arg17[%dma_wait3A_222, %dma_wait3A_223] : memref<2048x128xf32, #tpu.memory_space<vmem_shared>> -> memref<2048x128xf32, #tpu.memory_space<vmem_shared>>
        tpu.wait_indirect_dma semaphore(%run_scoped3A : memref<!tpu.dma_semaphore, #tpu.memory_space<semaphore_mem>>) src(%arg12 : memref<50x128xf32, #tpu.memory_space<vmem>>) dst(%dma_wait3A_224 : memref<2048x128xf32, #tpu.memory_space<vmem_shared>>)
        tpu.yield
      }) : () -> ()
      %add3A_132 = arith.constant 3 : i32
      %add3A_133 = arith.addi %add3A_72, %add3A_132 : i32
      %add3A_134 = arith.constant 8 : i32
      %add3A_135 = arith.addi %add3A_133, %add3A_134 : i32
      %lt3A_136 = arith.constant 128 : i32
      %lt3A_137 = arith.cmpi slt, %add3A_135, %lt3A_136 : i32
      %convert_element_type3A_138 = arith.extui %lt3A_137 : i1 to i32
      %cond3A_139 = arith.constant 0 : i32
      %cond3A_140 = arith.cmpi ne, %convert_element_type3A_138, %cond3A_139 : i32
      scf.if %cond3A_140 {
        %add3A_213 = arith.constant 3 : i32
        %add3A_214 = arith.addi %add3A_72, %add3A_213 : i32
        %add3A_215 = arith.constant 8 : i32
        %add3A_216 = arith.addi %add3A_214, %add3A_215 : i32
        %dma_start3A_217 = arith.constant 0 : i32
        %dma_start3A_218 = tpu.memref_slice %arg7[%add3A_216, %dma_start3A_217] : memref<128x50xi32, #tpu.memory_space<vmem>> -> memref<1x50xi32, #tpu.memory_space<vmem>>
        %dma_start3A_219 = tpu.memref_squeeze %dma_start3A_218 : memref<1x50xi32, #tpu.memory_space<vmem>> -> memref<50xi32, #tpu.memory_space<vmem>>
        %dma_start3A_220 = arith.constant 0 : i32
        %dma_start3A_221 = arith.constant 0 : i32
        %dma_start3A_222 = tpu.memref_slice %arg2[%dma_start3A_220, %dma_start3A_221] : memref<100000x128xf32, #tpu.memory_space<hbm>> -> memref<100000x128xf32, #tpu.memory_space<hbm>>
        tpu.enqueue_indirect_dma source(%dma_start3A_222 : memref<100000x128xf32, #tpu.memory_space<hbm>>) target(%arg12 : memref<50x128xf32, #tpu.memory_space<vmem>>) offsets(%dma_start3A_219 : memref<50xi32, #tpu.memory_space<vmem>>) semaphore(%arg21 : memref<!tpu.dma_semaphore, #tpu.memory_space<semaphore_mem>>)
      } else {
      }
      %dma_wait3A_141 = arith.constant 0 : i32
      %dma_wait3A_142 = arith.constant 0 : i32
      %dma_wait3A_143 = tpu.memref_slice %arg7[%dma_wait3A_141, %dma_wait3A_142] : memref<128x50xi32, #tpu.memory_space<vmem>> -> memref<1x50xi32, #tpu.memory_space<vmem>>
      %dma_wait3A_144 = tpu.memref_squeeze %dma_wait3A_143 : memref<1x50xi32, #tpu.memory_space<vmem>> -> memref<50xi32, #tpu.memory_space<vmem>>
      %dma_wait3A_145 = arith.constant 0 : i32
      %dma_wait3A_146 = arith.constant 0 : i32
      %dma_wait3A_147 = tpu.memref_slice %arg2[%dma_wait3A_145, %dma_wait3A_146] : memref<100000x128xf32, #tpu.memory_space<hbm>> -> memref<100000x128xf32, #tpu.memory_space<hbm>>
      tpu.wait_indirect_dma semaphore(%arg22 : memref<!tpu.dma_semaphore, #tpu.memory_space<semaphore_mem>>) src(%dma_wait3A_147 : memref<100000x128xf32, #tpu.memory_space<hbm>>) dst(%arg13 : memref<50x128xf32, #tpu.memory_space<vmem>>)
      %add3A_148 = arith.constant 4 : i32
      %add3A_149 = arith.addi %add3A_72, %add3A_148 : i32
      "tpu.region"() ({
        %run_scoped3A = tpu.sem_alloc : memref<!tpu.dma_semaphore, #tpu.memory_space<semaphore_mem>>
        %dma_start3A_213 = arith.constant 0 : i32
        %dma_start3A_214 = tpu.memref_slice %arg8[%add3A_149, %dma_start3A_213] : memref<128x50xi32, #tpu.memory_space<vmem>> -> memref<1x50xi32, #tpu.memory_space<vmem>>
        %dma_start3A_215 = tpu.memref_squeeze %dma_start3A_214 : memref<1x50xi32, #tpu.memory_space<vmem>> -> memref<50xi32, #tpu.memory_space<vmem>>
        %dma_start3A_216 = arith.constant 0 : i32
        %dma_start3A_217 = arith.constant 0 : i32
        %dma_start3A_218 = tpu.memref_slice %arg17[%dma_start3A_216, %dma_start3A_217] : memref<2048x128xf32, #tpu.memory_space<vmem_shared>> -> memref<2048x128xf32, #tpu.memory_space<vmem_shared>>
        tpu.enqueue_indirect_dma source(%arg13 : memref<50x128xf32, #tpu.memory_space<vmem>>) target(%dma_start3A_218 : memref<2048x128xf32, #tpu.memory_space<vmem_shared>>) offsets(%dma_start3A_215 : memref<50xi32, #tpu.memory_space<vmem>>) semaphore(%run_scoped3A : memref<!tpu.dma_semaphore, #tpu.memory_space<semaphore_mem>>) {add = true}
        %dma_wait3A_219 = arith.constant 0 : i32
        %dma_wait3A_220 = tpu.memref_slice %arg8[%add3A_149, %dma_wait3A_219] : memref<128x50xi32, #tpu.memory_space<vmem>> -> memref<1x50xi32, #tpu.memory_space<vmem>>
        %dma_wait3A_221 = tpu.memref_squeeze %dma_wait3A_220 : memref<1x50xi32, #tpu.memory_space<vmem>> -> memref<50xi32, #tpu.memory_space<vmem>>
        %dma_wait3A_222 = arith.constant 0 : i32
        %dma_wait3A_223 = arith.constant 0 : i32
        %dma_wait3A_224 = tpu.memref_slice %arg17[%dma_wait3A_222, %dma_wait3A_223] : memref<2048x128xf32, #tpu.memory_space<vmem_shared>> -> memref<2048x128xf32, #tpu.memory_space<vmem_shared>>
        tpu.wait_indirect_dma semaphore(%run_scoped3A : memref<!tpu.dma_semaphore, #tpu.memory_space<semaphore_mem>>) src(%arg13 : memref<50x128xf32, #tpu.memory_space<vmem>>) dst(%dma_wait3A_224 : memref<2048x128xf32, #tpu.memory_space<vmem_shared>>)
        tpu.yield
      }) : () -> ()
      %add3A_150 = arith.constant 4 : i32
      %add3A_151 = arith.addi %add3A_72, %add3A_150 : i32
      %add3A_152 = arith.constant 8 : i32
      %add3A_153 = arith.addi %add3A_151, %add3A_152 : i32
      %lt3A_154 = arith.constant 128 : i32
      %lt3A_155 = arith.cmpi slt, %add3A_153, %lt3A_154 : i32
      %convert_element_type3A_156 = arith.extui %lt3A_155 : i1 to i32
      %cond3A_157 = arith.constant 0 : i32
      %cond3A_158 = arith.cmpi ne, %convert_element_type3A_156, %cond3A_157 : i32
      scf.if %cond3A_158 {
        %add3A_213 = arith.constant 4 : i32
        %add3A_214 = arith.addi %add3A_72, %add3A_213 : i32
        %add3A_215 = arith.constant 8 : i32
        %add3A_216 = arith.addi %add3A_214, %add3A_215 : i32
        %dma_start3A_217 = arith.constant 0 : i32
        %dma_start3A_218 = tpu.memref_slice %arg7[%add3A_216, %dma_start3A_217] : memref<128x50xi32, #tpu.memory_space<vmem>> -> memref<1x50xi32, #tpu.memory_space<vmem>>
        %dma_start3A_219 = tpu.memref_squeeze %dma_start3A_218 : memref<1x50xi32, #tpu.memory_space<vmem>> -> memref<50xi32, #tpu.memory_space<vmem>>
        %dma_start3A_220 = arith.constant 0 : i32
        %dma_start3A_221 = arith.constant 0 : i32
        %dma_start3A_222 = tpu.memref_slice %arg2[%dma_start3A_220, %dma_start3A_221] : memref<100000x128xf32, #tpu.memory_space<hbm>> -> memref<100000x128xf32, #tpu.memory_space<hbm>>
        tpu.enqueue_indirect_dma source(%dma_start3A_222 : memref<100000x128xf32, #tpu.memory_space<hbm>>) target(%arg13 : memref<50x128xf32, #tpu.memory_space<vmem>>) offsets(%dma_start3A_219 : memref<50xi32, #tpu.memory_space<vmem>>) semaphore(%arg22 : memref<!tpu.dma_semaphore, #tpu.memory_space<semaphore_mem>>)
      } else {
      }
      %dma_wait3A_159 = arith.constant 0 : i32
      %dma_wait3A_160 = arith.constant 0 : i32
      %dma_wait3A_161 = tpu.memref_slice %arg7[%dma_wait3A_159, %dma_wait3A_160] : memref<128x50xi32, #tpu.memory_space<vmem>> -> memref<1x50xi32, #tpu.memory_space<vmem>>
      %dma_wait3A_162 = tpu.memref_squeeze %dma_wait3A_161 : memref<1x50xi32, #tpu.memory_space<vmem>> -> memref<50xi32, #tpu.memory_space<vmem>>
      %dma_wait3A_163 = arith.constant 0 : i32
      %dma_wait3A_164 = arith.constant 0 : i32
      %dma_wait3A_165 = tpu.memref_slice %arg2[%dma_wait3A_163, %dma_wait3A_164] : memref<100000x128xf32, #tpu.memory_space<hbm>> -> memref<100000x128xf32, #tpu.memory_space<hbm>>
      tpu.wait_indirect_dma semaphore(%arg23 : memref<!tpu.dma_semaphore, #tpu.memory_space<semaphore_mem>>) src(%dma_wait3A_165 : memref<100000x128xf32, #tpu.memory_space<hbm>>) dst(%arg14 : memref<50x128xf32, #tpu.memory_space<vmem>>)
      %add3A_166 = arith.constant 5 : i32
      %add3A_167 = arith.addi %add3A_72, %add3A_166 : i32
      "tpu.region"() ({
        %run_scoped3A = tpu.sem_alloc : memref<!tpu.dma_semaphore, #tpu.memory_space<semaphore_mem>>
        %dma_start3A_213 = arith.constant 0 : i32
        %dma_start3A_214 = tpu.memref_slice %arg8[%add3A_167, %dma_start3A_213] : memref<128x50xi32, #tpu.memory_space<vmem>> -> memref<1x50xi32, #tpu.memory_space<vmem>>
        %dma_start3A_215 = tpu.memref_squeeze %dma_start3A_214 : memref<1x50xi32, #tpu.memory_space<vmem>> -> memref<50xi32, #tpu.memory_space<vmem>>
        %dma_start3A_216 = arith.constant 0 : i32
        %dma_start3A_217 = arith.constant 0 : i32
        %dma_start3A_218 = tpu.memref_slice %arg17[%dma_start3A_216, %dma_start3A_217] : memref<2048x128xf32, #tpu.memory_space<vmem_shared>> -> memref<2048x128xf32, #tpu.memory_space<vmem_shared>>
        tpu.enqueue_indirect_dma source(%arg14 : memref<50x128xf32, #tpu.memory_space<vmem>>) target(%dma_start3A_218 : memref<2048x128xf32, #tpu.memory_space<vmem_shared>>) offsets(%dma_start3A_215 : memref<50xi32, #tpu.memory_space<vmem>>) semaphore(%run_scoped3A : memref<!tpu.dma_semaphore, #tpu.memory_space<semaphore_mem>>) {add = true}
        %dma_wait3A_219 = arith.constant 0 : i32
        %dma_wait3A_220 = tpu.memref_slice %arg8[%add3A_167, %dma_wait3A_219] : memref<128x50xi32, #tpu.memory_space<vmem>> -> memref<1x50xi32, #tpu.memory_space<vmem>>
        %dma_wait3A_221 = tpu.memref_squeeze %dma_wait3A_220 : memref<1x50xi32, #tpu.memory_space<vmem>> -> memref<50xi32, #tpu.memory_space<vmem>>
        %dma_wait3A_222 = arith.constant 0 : i32
        %dma_wait3A_223 = arith.constant 0 : i32
        %dma_wait3A_224 = tpu.memref_slice %arg17[%dma_wait3A_222, %dma_wait3A_223] : memref<2048x128xf32, #tpu.memory_space<vmem_shared>> -> memref<2048x128xf32, #tpu.memory_space<vmem_shared>>
        tpu.wait_indirect_dma semaphore(%run_scoped3A : memref<!tpu.dma_semaphore, #tpu.memory_space<semaphore_mem>>) src(%arg14 : memref<50x128xf32, #tpu.memory_space<vmem>>) dst(%dma_wait3A_224 : memref<2048x128xf32, #tpu.memory_space<vmem_shared>>)
        tpu.yield
      }) : () -> ()
      %add3A_168 = arith.constant 5 : i32
      %add3A_169 = arith.addi %add3A_72, %add3A_168 : i32
      %add3A_170 = arith.constant 8 : i32
      %add3A_171 = arith.addi %add3A_169, %add3A_170 : i32
      %lt3A_172 = arith.constant 128 : i32
      %lt3A_173 = arith.cmpi slt, %add3A_171, %lt3A_172 : i32
      %convert_element_type3A_174 = arith.extui %lt3A_173 : i1 to i32
      %cond3A_175 = arith.constant 0 : i32
      %cond3A_176 = arith.cmpi ne, %convert_element_type3A_174, %cond3A_175 : i32
      scf.if %cond3A_176 {
        %add3A_213 = arith.constant 5 : i32
        %add3A_214 = arith.addi %add3A_72, %add3A_213 : i32
        %add3A_215 = arith.constant 8 : i32
        %add3A_216 = arith.addi %add3A_214, %add3A_215 : i32
        %dma_start3A_217 = arith.constant 0 : i32
        %dma_start3A_218 = tpu.memref_slice %arg7[%add3A_216, %dma_start3A_217] : memref<128x50xi32, #tpu.memory_space<vmem>> -> memref<1x50xi32, #tpu.memory_space<vmem>>
        %dma_start3A_219 = tpu.memref_squeeze %dma_start3A_218 : memref<1x50xi32, #tpu.memory_space<vmem>> -> memref<50xi32, #tpu.memory_space<vmem>>
        %dma_start3A_220 = arith.constant 0 : i32
        %dma_start3A_221 = arith.constant 0 : i32
        %dma_start3A_222 = tpu.memref_slice %arg2[%dma_start3A_220, %dma_start3A_221] : memref<100000x128xf32, #tpu.memory_space<hbm>> -> memref<100000x128xf32, #tpu.memory_space<hbm>>
        tpu.enqueue_indirect_dma source(%dma_start3A_222 : memref<100000x128xf32, #tpu.memory_space<hbm>>) target(%arg14 : memref<50x128xf32, #tpu.memory_space<vmem>>) offsets(%dma_start3A_219 : memref<50xi32, #tpu.memory_space<vmem>>) semaphore(%arg23 : memref<!tpu.dma_semaphore, #tpu.memory_space<semaphore_mem>>)
      } else {
      }
      %dma_wait3A_177 = arith.constant 0 : i32
      %dma_wait3A_178 = arith.constant 0 : i32
      %dma_wait3A_179 = tpu.memref_slice %arg7[%dma_wait3A_177, %dma_wait3A_178] : memref<128x50xi32, #tpu.memory_space<vmem>> -> memref<1x50xi32, #tpu.memory_space<vmem>>
      %dma_wait3A_180 = tpu.memref_squeeze %dma_wait3A_179 : memref<1x50xi32, #tpu.memory_space<vmem>> -> memref<50xi32, #tpu.memory_space<vmem>>
      %dma_wait3A_181 = arith.constant 0 : i32
      %dma_wait3A_182 = arith.constant 0 : i32
      %dma_wait3A_183 = tpu.memref_slice %arg2[%dma_wait3A_181, %dma_wait3A_182] : memref<100000x128xf32, #tpu.memory_space<hbm>> -> memref<100000x128xf32, #tpu.memory_space<hbm>>
      tpu.wait_indirect_dma semaphore(%arg24 : memref<!tpu.dma_semaphore, #tpu.memory_space<semaphore_mem>>) src(%dma_wait3A_183 : memref<100000x128xf32, #tpu.memory_space<hbm>>) dst(%arg15 : memref<50x128xf32, #tpu.memory_space<vmem>>)
      %add3A_184 = arith.constant 6 : i32
      %add3A_185 = arith.addi %add3A_72, %add3A_184 : i32
      "tpu.region"() ({
        %run_scoped3A = tpu.sem_alloc : memref<!tpu.dma_semaphore, #tpu.memory_space<semaphore_mem>>
        %dma_start3A_213 = arith.constant 0 : i32
        %dma_start3A_214 = tpu.memref_slice %arg8[%add3A_185, %dma_start3A_213] : memref<128x50xi32, #tpu.memory_space<vmem>> -> memref<1x50xi32, #tpu.memory_space<vmem>>
        %dma_start3A_215 = tpu.memref_squeeze %dma_start3A_214 : memref<1x50xi32, #tpu.memory_space<vmem>> -> memref<50xi32, #tpu.memory_space<vmem>>
        %dma_start3A_216 = arith.constant 0 : i32
        %dma_start3A_217 = arith.constant 0 : i32
        %dma_start3A_218 = tpu.memref_slice %arg17[%dma_start3A_216, %dma_start3A_217] : memref<2048x128xf32, #tpu.memory_space<vmem_shared>> -> memref<2048x128xf32, #tpu.memory_space<vmem_shared>>
        tpu.enqueue_indirect_dma source(%arg15 : memref<50x128xf32, #tpu.memory_space<vmem>>) target(%dma_start3A_218 : memref<2048x128xf32, #tpu.memory_space<vmem_shared>>) offsets(%dma_start3A_215 : memref<50xi32, #tpu.memory_space<vmem>>) semaphore(%run_scoped3A : memref<!tpu.dma_semaphore, #tpu.memory_space<semaphore_mem>>) {add = true}
        %dma_wait3A_219 = arith.constant 0 : i32
        %dma_wait3A_220 = tpu.memref_slice %arg8[%add3A_185, %dma_wait3A_219] : memref<128x50xi32, #tpu.memory_space<vmem>> -> memref<1x50xi32, #tpu.memory_space<vmem>>
        %dma_wait3A_221 = tpu.memref_squeeze %dma_wait3A_220 : memref<1x50xi32, #tpu.memory_space<vmem>> -> memref<50xi32, #tpu.memory_space<vmem>>
        %dma_wait3A_222 = arith.constant 0 : i32
        %dma_wait3A_223 = arith.constant 0 : i32
        %dma_wait3A_224 = tpu.memref_slice %arg17[%dma_wait3A_222, %dma_wait3A_223] : memref<2048x128xf32, #tpu.memory_space<vmem_shared>> -> memref<2048x128xf32, #tpu.memory_space<vmem_shared>>
        tpu.wait_indirect_dma semaphore(%run_scoped3A : memref<!tpu.dma_semaphore, #tpu.memory_space<semaphore_mem>>) src(%arg15 : memref<50x128xf32, #tpu.memory_space<vmem>>) dst(%dma_wait3A_224 : memref<2048x128xf32, #tpu.memory_space<vmem_shared>>)
        tpu.yield
      }) : () -> ()
      %add3A_186 = arith.constant 6 : i32
      %add3A_187 = arith.addi %add3A_72, %add3A_186 : i32
      %add3A_188 = arith.constant 8 : i32
      %add3A_189 = arith.addi %add3A_187, %add3A_188 : i32
      %lt3A_190 = arith.constant 128 : i32
      %lt3A_191 = arith.cmpi slt, %add3A_189, %lt3A_190 : i32
      %convert_element_type3A_192 = arith.extui %lt3A_191 : i1 to i32
      %cond3A_193 = arith.constant 0 : i32
      %cond3A_194 = arith.cmpi ne, %convert_element_type3A_192, %cond3A_193 : i32
      scf.if %cond3A_194 {
        %add3A_213 = arith.constant 6 : i32
        %add3A_214 = arith.addi %add3A_72, %add3A_213 : i32
        %add3A_215 = arith.constant 8 : i32
        %add3A_216 = arith.addi %add3A_214, %add3A_215 : i32
        %dma_start3A_217 = arith.constant 0 : i32
        %dma_start3A_218 = tpu.memref_slice %arg7[%add3A_216, %dma_start3A_217] : memref<128x50xi32, #tpu.memory_space<vmem>> -> memref<1x50xi32, #tpu.memory_space<vmem>>
        %dma_start3A_219 = tpu.memref_squeeze %dma_start3A_218 : memref<1x50xi32, #tpu.memory_space<vmem>> -> memref<50xi32, #tpu.memory_space<vmem>>
        %dma_start3A_220 = arith.constant 0 : i32
        %dma_start3A_221 = arith.constant 0 : i32
        %dma_start3A_222 = tpu.memref_slice %arg2[%dma_start3A_220, %dma_start3A_221] : memref<100000x128xf32, #tpu.memory_space<hbm>> -> memref<100000x128xf32, #tpu.memory_space<hbm>>
        tpu.enqueue_indirect_dma source(%dma_start3A_222 : memref<100000x128xf32, #tpu.memory_space<hbm>>) target(%arg15 : memref<50x128xf32, #tpu.memory_space<vmem>>) offsets(%dma_start3A_219 : memref<50xi32, #tpu.memory_space<vmem>>) semaphore(%arg24 : memref<!tpu.dma_semaphore, #tpu.memory_space<semaphore_mem>>)
      } else {
      }
      %dma_wait3A_195 = arith.constant 0 : i32
      %dma_wait3A_196 = arith.constant 0 : i32
      %dma_wait3A_197 = tpu.memref_slice %arg7[%dma_wait3A_195, %dma_wait3A_196] : memref<128x50xi32, #tpu.memory_space<vmem>> -> memref<1x50xi32, #tpu.memory_space<vmem>>
      %dma_wait3A_198 = tpu.memref_squeeze %dma_wait3A_197 : memref<1x50xi32, #tpu.memory_space<vmem>> -> memref<50xi32, #tpu.memory_space<vmem>>
      %dma_wait3A_199 = arith.constant 0 : i32
      %dma_wait3A_200 = arith.constant 0 : i32
      %dma_wait3A_201 = tpu.memref_slice %arg2[%dma_wait3A_199, %dma_wait3A_200] : memref<100000x128xf32, #tpu.memory_space<hbm>> -> memref<100000x128xf32, #tpu.memory_space<hbm>>
      tpu.wait_indirect_dma semaphore(%arg25 : memref<!tpu.dma_semaphore, #tpu.memory_space<semaphore_mem>>) src(%dma_wait3A_201 : memref<100000x128xf32, #tpu.memory_space<hbm>>) dst(%arg16 : memref<50x128xf32, #tpu.memory_space<vmem>>)
      %add3A_202 = arith.constant 7 : i32
      %add3A_203 = arith.addi %add3A_72, %add3A_202 : i32
      "tpu.region"() ({
        %run_scoped3A = tpu.sem_alloc : memref<!tpu.dma_semaphore, #tpu.memory_space<semaphore_mem>>
        %dma_start3A_213 = arith.constant 0 : i32
        %dma_start3A_214 = tpu.memref_slice %arg8[%add3A_203, %dma_start3A_213] : memref<128x50xi32, #tpu.memory_space<vmem>> -> memref<1x50xi32, #tpu.memory_space<vmem>>
        %dma_start3A_215 = tpu.memref_squeeze %dma_start3A_214 : memref<1x50xi32, #tpu.memory_space<vmem>> -> memref<50xi32, #tpu.memory_space<vmem>>
        %dma_start3A_216 = arith.constant 0 : i32
        %dma_start3A_217 = arith.constant 0 : i32
        %dma_start3A_218 = tpu.memref_slice %arg17[%dma_start3A_216, %dma_start3A_217] : memref<2048x128xf32, #tpu.memory_space<vmem_shared>> -> memref<2048x128xf32, #tpu.memory_space<vmem_shared>>
        tpu.enqueue_indirect_dma source(%arg16 : memref<50x128xf32, #tpu.memory_space<vmem>>) target(%dma_start3A_218 : memref<2048x128xf32, #tpu.memory_space<vmem_shared>>) offsets(%dma_start3A_215 : memref<50xi32, #tpu.memory_space<vmem>>) semaphore(%run_scoped3A : memref<!tpu.dma_semaphore, #tpu.memory_space<semaphore_mem>>) {add = true}
        %dma_wait3A_219 = arith.constant 0 : i32
        %dma_wait3A_220 = tpu.memref_slice %arg8[%add3A_203, %dma_wait3A_219] : memref<128x50xi32, #tpu.memory_space<vmem>> -> memref<1x50xi32, #tpu.memory_space<vmem>>
        %dma_wait3A_221 = tpu.memref_squeeze %dma_wait3A_220 : memref<1x50xi32, #tpu.memory_space<vmem>> -> memref<50xi32, #tpu.memory_space<vmem>>
        %dma_wait3A_222 = arith.constant 0 : i32
        %dma_wait3A_223 = arith.constant 0 : i32
        %dma_wait3A_224 = tpu.memref_slice %arg17[%dma_wait3A_222, %dma_wait3A_223] : memref<2048x128xf32, #tpu.memory_space<vmem_shared>> -> memref<2048x128xf32, #tpu.memory_space<vmem_shared>>
        tpu.wait_indirect_dma semaphore(%run_scoped3A : memref<!tpu.dma_semaphore, #tpu.memory_space<semaphore_mem>>) src(%arg16 : memref<50x128xf32, #tpu.memory_space<vmem>>) dst(%dma_wait3A_224 : memref<2048x128xf32, #tpu.memory_space<vmem_shared>>)
        tpu.yield
      }) : () -> ()
      %add3A_204 = arith.constant 7 : i32
      %add3A_205 = arith.addi %add3A_72, %add3A_204 : i32
      %add3A_206 = arith.constant 8 : i32
      %add3A_207 = arith.addi %add3A_205, %add3A_206 : i32
      %lt3A_208 = arith.constant 128 : i32
      %lt3A_209 = arith.cmpi slt, %add3A_207, %lt3A_208 : i32
      %convert_element_type3A_210 = arith.extui %lt3A_209 : i1 to i32
      %cond3A_211 = arith.constant 0 : i32
      %cond3A_212 = arith.cmpi ne, %convert_element_type3A_210, %cond3A_211 : i32
      scf.if %cond3A_212 {
        %add3A_213 = arith.constant 7 : i32
        %add3A_214 = arith.addi %add3A_72, %add3A_213 : i32
        %add3A_215 = arith.constant 8 : i32
        %add3A_216 = arith.addi %add3A_214, %add3A_215 : i32
        %dma_start3A_217 = arith.constant 0 : i32
        %dma_start3A_218 = tpu.memref_slice %arg7[%add3A_216, %dma_start3A_217] : memref<128x50xi32, #tpu.memory_space<vmem>> -> memref<1x50xi32, #tpu.memory_space<vmem>>
        %dma_start3A_219 = tpu.memref_squeeze %dma_start3A_218 : memref<1x50xi32, #tpu.memory_space<vmem>> -> memref<50xi32, #tpu.memory_space<vmem>>
        %dma_start3A_220 = arith.constant 0 : i32
        %dma_start3A_221 = arith.constant 0 : i32
        %dma_start3A_222 = tpu.memref_slice %arg2[%dma_start3A_220, %dma_start3A_221] : memref<100000x128xf32, #tpu.memory_space<hbm>> -> memref<100000x128xf32, #tpu.memory_space<hbm>>
        tpu.enqueue_indirect_dma source(%dma_start3A_222 : memref<100000x128xf32, #tpu.memory_space<hbm>>) target(%arg16 : memref<50x128xf32, #tpu.memory_space<vmem>>) offsets(%dma_start3A_219 : memref<50xi32, #tpu.memory_space<vmem>>) semaphore(%arg25 : memref<!tpu.dma_semaphore, #tpu.memory_space<semaphore_mem>>)
      } else {
      }
    }
    %scan3A_63 = arith.constant 16 : i32
    %mul3A_64 = arith.constant 128 : i32
    %mul3A_65 = arith.muli %arg1, %mul3A_64 : i32
    %mul3A_66 = arith.constant 128 : i32
    %mul3A_67 = arith.muli %add3A, %mul3A_66 : i32
    "tpu.region"() ({
      %run_scoped3A = tpu.sem_alloc : memref<!tpu.dma_semaphore, #tpu.memory_space<semaphore_mem>>
      %dma_start3A_68 = arith.constant 0 : i32
      %dma_start3A_69 = tpu.memref_slice %arg6[%mul3A_67, %dma_start3A_68] : memref<4096x128xf32, #tpu.memory_space<hbm>> -> memref<128x128xf32, #tpu.memory_space<hbm>>
      %dma_start3A_70 = arith.constant 0 : i32
      %dma_start3A_71 = tpu.memref_slice %arg17[%mul3A_65, %dma_start3A_70] : memref<2048x128xf32, #tpu.memory_space<vmem_shared>> -> memref<128x128xf32, #tpu.memory_space<vmem_shared>>
      tpu.enqueue_dma source(%dma_start3A_71 : memref<128x128xf32, #tpu.memory_space<vmem_shared>>) target(%dma_start3A_69 : memref<128x128xf32, #tpu.memory_space<hbm>>) target_semaphore(%run_scoped3A : memref<!tpu.dma_semaphore, #tpu.memory_space<semaphore_mem>>)
      %dma_wait3A = arith.constant 0 : i32
      %dma_wait3A_72 = tpu.memref_slice %arg6[%mul3A_67, %dma_wait3A] : memref<4096x128xf32, #tpu.memory_space<hbm>> -> memref<128x128xf32, #tpu.memory_space<hbm>>
      %dma_wait3A_73 = arith.constant 0 : i32
      %dma_wait3A_74 = tpu.memref_slice %arg17[%mul3A_65, %dma_wait3A_73] : memref<2048x128xf32, #tpu.memory_space<vmem_shared>> -> memref<128x128xf32, #tpu.memory_space<vmem_shared>>
      tpu.wait_dma2 semaphore(%run_scoped3A : memref<!tpu.dma_semaphore, #tpu.memory_space<semaphore_mem>>) src(%dma_wait3A_74 : memref<128x128xf32, #tpu.memory_space<vmem_shared>>) dst(%dma_wait3A_72 : memref<128x128xf32, #tpu.memory_space<hbm>>)
      tpu.yield
    }) : () -> ()
    return
  }
}

module attributes {stable_mosaic.version = 14 : i64} {
  func.func @_mlp_body(%arg0: i32, %arg1: memref<1024x128xf32, #tpu.memory_space<vmem>>, %arg2: memref<128x100xf32, #tpu.memory_space<vmem>>, %arg3: memref<1x100xf32, #tpu.memory_space<vmem>>, %arg4: memref<100x50xf32, #tpu.memory_space<vmem>>, %arg5: memref<1x50xf32, #tpu.memory_space<vmem>>, %arg6: memref<1024x50xf32, #tpu.memory_space<vmem>>) attributes {dimension_semantics = [#tpu.dimension_semantics<arbitrary>], iteration_bounds = array<i64: 4>, scalar_prefetch = 0 : i64, scratch_operands = 0 : i64, tpu.core_type = #tpu.core_type<tc>, window_params = [{transform_indices = @transform_0, window_bounds = array<i64: 1024, 128>}, {pipeline_mode = #tpu.pipeline_mode<synchronous>, transform_indices = @transform_1, window_bounds = array<i64: 128, 100>}, {pipeline_mode = #tpu.pipeline_mode<synchronous>, transform_indices = @transform_2, window_bounds = array<i64: 1, 100>}, {pipeline_mode = #tpu.pipeline_mode<synchronous>, transform_indices = @transform_3, window_bounds = array<i64: 100, 50>}, {pipeline_mode = #tpu.pipeline_mode<synchronous>, transform_indices = @transform_4, window_bounds = array<i64: 1, 50>}, {transform_indices = @transform_5, window_bounds = array<i64: 1024, 50>}]} {
    %get3A = arith.constant 0 : index
    %get3A_0 = arith.constant 0 : index
    %get3A_1 = vector.load %arg1[%get3A, %get3A_0] : memref<1024x128xf32, #tpu.memory_space<vmem>>, vector<1024x128xf32>
    %mul3A = arith.constant 2.000000e-02 : f32
    %mul3A_2 = vector.broadcast %mul3A : f32 to vector<1024x128xf32>
    %mul3A_3 = arith.mulf %get3A_1, %mul3A_2 : vector<1024x128xf32>
    %get3A_4 = arith.constant 0 : index
    %get3A_5 = arith.constant 0 : index
    %get3A_6 = vector.load %arg2[%get3A_4, %get3A_5] : memref<128x100xf32, #tpu.memory_space<vmem>>, vector<128x100xf32>
    %dot_general3A = arith.constant dense<0.000000e+00> : vector<1024x100xf32>
    %dot_general3A_7 = tpu.matmul %mul3A_3, %get3A_6, %dot_general3A {dimension_numbers = #tpu.dot_dimension_numbers<[1], [0], [0], [1], [0, 0, 1, 1], [], []>, transpose_lhs_hint = false} : vector<1024x128xf32>, vector<128x100xf32>, vector<1024x100xf32> -> vector<1024x100xf32>
    %get3A_8 = arith.constant 0 : index
    %get3A_9 = arith.constant 0 : index
    %get3A_10 = vector.load %arg3[%get3A_8, %get3A_9] : memref<1x100xf32, #tpu.memory_space<vmem>>, vector<1x100xf32>
    %add3A = vector.broadcast %get3A_10 : vector<1x100xf32> to vector<1024x100xf32>
    %add3A_11 = arith.addf %dot_general3A_7, %add3A : vector<1024x100xf32>
    %max3A = arith.constant 0.000000e+00 : f32
    %max3A_12 = vector.broadcast %max3A : f32 to vector<1024x100xf32>
    %max3A_13 = arith.maximumf %add3A_11, %max3A_12 : vector<1024x100xf32>
    %get3A_14 = arith.constant 0 : index
    %get3A_15 = arith.constant 0 : index
    %get3A_16 = vector.load %arg4[%get3A_14, %get3A_15] : memref<100x50xf32, #tpu.memory_space<vmem>>, vector<100x50xf32>
    %dot_general3A_17 = arith.constant dense<0.000000e+00> : vector<1024x50xf32>
    %dot_general3A_18 = tpu.matmul %max3A_13, %get3A_16, %dot_general3A_17 {dimension_numbers = #tpu.dot_dimension_numbers<[1], [0], [0], [1], [0, 0, 1, 1], [], []>, transpose_lhs_hint = false} : vector<1024x100xf32>, vector<100x50xf32>, vector<1024x50xf32> -> vector<1024x50xf32>
    %get3A_19 = arith.constant 0 : index
    %get3A_20 = arith.constant 0 : index
    %get3A_21 = vector.load %arg5[%get3A_19, %get3A_20] : memref<1x50xf32, #tpu.memory_space<vmem>>, vector<1x50xf32>
    %add3A_22 = vector.broadcast %get3A_21 : vector<1x50xf32> to vector<1024x50xf32>
    %add3A_23 = arith.addf %dot_general3A_18, %add3A_22 : vector<1024x50xf32>
    %reduce_max3A = arith.constant dense<0xFF800000> : vector<1024xf32>
    %reduce_max3A_24 = vector.multi_reduction <maximumf>, %add3A_23, %reduce_max3A [1] : vector<1024x50xf32> to vector<1024xf32>
    %broadcast_in_dim3A = vector.shape_cast %reduce_max3A_24 : vector<1024xf32> to vector<1024x1xf32>
    %sub3A = vector.broadcast %broadcast_in_dim3A : vector<1024x1xf32> to vector<1024x50xf32>
    %sub3A_25 = arith.subf %add3A_23, %sub3A : vector<1024x50xf32>
    %exp3A = math.exp %sub3A_25 : vector<1024x50xf32>
    %reduce_sum3A = arith.constant dense<0.000000e+00> : vector<1024xf32>
    %reduce_sum3A_26 = vector.multi_reduction <add>, %exp3A, %reduce_sum3A [1] : vector<1024x50xf32> to vector<1024xf32>
    %broadcast_in_dim3A_27 = vector.shape_cast %reduce_sum3A_26 : vector<1024xf32> to vector<1024x1xf32>
    %log3A = math.log %broadcast_in_dim3A_27 : vector<1024x1xf32>
    %sub3A_28 = vector.broadcast %log3A : vector<1024x1xf32> to vector<1024x50xf32>
    %sub3A_29 = arith.subf %sub3A_25, %sub3A_28 : vector<1024x50xf32>
    %swap3A = arith.constant 0 : index
    %swap3A_30 = arith.constant 0 : index
    %swap3A_31 = vector.load %arg6[%swap3A, %swap3A_30] : memref<1024x50xf32, #tpu.memory_space<vmem>>, vector<1024x50xf32>
    tpu.vector_store %arg6[%swap3A, %swap3A_30], %sub3A_29 {strides = array<i32>} : memref<1024x50xf32, #tpu.memory_space<vmem>>, vector<1024x50xf32>,
    return
  }
  func.func @transform_0(%arg0: i32) -> (i32, i32) {
    %c0_i32 = arith.constant 0 : i32
    %c0_i32_0 = arith.constant 0 : i32
    return %arg0, %c0_i32 : i32, i32
  }
  func.func @transform_1(%arg0: i32) -> (i32, i32) {
    %c0_i32 = arith.constant 0 : i32
    %c0_i32_0 = arith.constant 0 : i32
    %c0_i32_1 = arith.constant 0 : i32
    return %c0_i32, %c0_i32_0 : i32, i32
  }
  func.func @transform_2(%arg0: i32) -> (i32, i32) {
    %c0_i32 = arith.constant 0 : i32
    %c0_i32_0 = arith.constant 0 : i32
    %c0_i32_1 = arith.constant 0 : i32
    return %c0_i32, %c0_i32_0 : i32, i32
  }
  func.func @transform_3(%arg0: i32) -> (i32, i32) {
    %c0_i32 = arith.constant 0 : i32
    %c0_i32_0 = arith.constant 0 : i32
    %c0_i32_1 = arith.constant 0 : i32
    return %c0_i32, %c0_i32_0 : i32, i32
  }
  func.func @transform_4(%arg0: i32) -> (i32, i32) {
    %c0_i32 = arith.constant 0 : i32
    %c0_i32_0 = arith.constant 0 : i32
    %c0_i32_1 = arith.constant 0 : i32
    return %c0_i32, %c0_i32_0 : i32, i32
  }
  func.func @transform_5(%arg0: i32) -> (i32, i32) {
    %c0_i32 = arith.constant 0 : i32
    %c0_i32_0 = arith.constant 0 : i32
    return %arg0, %c0_i32 : i32, i32
  }
}

</mosaic_0001>

<sc_bundles>
// kernel: kernel.4.cloned.1.call-start
scs
__scs_entry_jumppad:
0x0: {  	(pc) =	sbr.rel $0x88, $3  }
0x1: {  	(tag) =	ssettag $0x0;
	lr =	simm.s32 $0x1  }
0x2: {  	[smem:$0x3F9B] =	sst lr;
	_ =	strace $0xD0000000  }
0x3: {  	_ = 	snop  }
0x4: {  	_ = 	snop  }
0x5: {  	_ = 	snop  }
0x6: {  	_ = 	snop  }
0x7: {  	_ = 	snop  }
__scs_overlays_trampoline_lowered:
0x8: {  	[smem:$0x3FAA] =	sst s0  }
0x9: {  	[smem:$0x3FAB] =	sst s1  }
0xa: {  	[smem:$0x3FAC] =	sst s2  }
0xb: {  	[smem:$0x3FAD] =	sst s3  }
0xc: {  	[smem:$0x3FAE] =	sst s4  }
0xd: {  	[smem:$0x3FAF] =	sst s5  }
0xe: {  	[smem:$0x3FB0] =	sst s6  }
0xf: {  	[smem:$0x3FB1] =	sst s7  }
0x10: {  	[smem:$0x3FB2] =	sst s8  }
0x11: {  	[smem:$0x3FB3] =	sst s9;
	s0 =	simm.s32 @!p0 $0x0  }
0x12: {  	s1 =	sld [smem:$0x3F99];
	s0 =	simm.s32 @p0 $0x1  }
0x13: {  	[smem:$0x3FB4] =	sst s0;
	s0 =	simm.s32 @!p1 $0x0  }
0x14: {  	s2 =	sld [smem:$0x3F98];
	s0 =	simm.s32 @p1 $0x1  }
0x15: {  	[smem:$0x3FB5] =	sst s0;
	s0 =	simm.s32 @!p2 $0x0  }
0x16: {  	s3 =	sld [smem:$0x3FDB];
	s0 =	simm.s32 @p2 $0x1  }
0x17: {  	s4 =	simm.s32 $0x1BF5;
	[smem:$0x3FB7] =	sst s0  }
0x18: {  	s0 =	sld [smem:$0x3F9A];
	_ =	swait.ge [sflag:s4], $0x0  }
0x19: {  	s7 =	sld [smem:$0x3F9B]  }
0x1a: {  	s8 =	sadd.s32 $0xFFFFE003, lr  }
0x1b: {  	s9 =	sadd.s32 $0xFFFFFEF7, lr;
	s5 =	simm.s32 $0xFFFFFFFF;
	p2 =	slt.u32 s8, $0xFFFFF086  }
0x1c: {  	p1 =	slt.u32 s9, $0xF7A;
	s5 =	simm.s32 @!p2 $0x0  }
0x1d: {  	s5 =	simm.s32 @p1 $0x1;
	p0 =	seq.s32 s7, s2  }
0x1e: {  	s7 =	smul.u32 @!p0 $0xF7A, s2;
	p2 =	seq.s32 @!p0 s5, $0x0  }
0x1f: {  	s9 =	smul.u32 $0xF7A, s1;
	s8 =	simm.s32 @!p0 $0x1BF5;
	p2 =	por !p2, p0  }
0x20: {  	[sflag:s8] =	ssyncset.s32 @!p0 $0xFFFFF086;
	s6 =	sadd.s32 @!p0 s3, s7;
	s7 =	simm.s32 @!p0 $0x108  }
0x21: {  	s3 =	sadd.s32 s3, s9;
	s6 =	sadd.s32 @!p0 $0x88, s6;
	s7 =	simm.s32 @p2 $0x1082  }
0x22: {  	[simem:s7], [sflag:s8] =	dma.local @!p0 [hbm:s6], $0xF7A  }
0x23: {  	s9 =	sor.u32 $0xD0000000, s2;
	s6 =	simm.s32 $0x108;
	_ =	swait.ge @!p0 [sflag:s8], $0x0  }
0x24: {  	s3 =	sadd.s32 $0x88, s3;
	s6 =	simm.s32 @!p1 $0x1082;
	[sflag:s4] =	ssyncset.s32 $0xFFFFF086  }
0x25: {  	[simem:s6], [sflag:s4] =	dma.local [hbm:s3], $0xF7A  }
0x26: {  	[smem:$0x3F9B] =	sst s1;
	(tag) =	ssettag s2;
	_ =	strace s9  }
0x27: {  	s1 =	sld [smem:$0x3FAB]  }
0x28: {  	s2 =	sld [smem:$0x3FAC]  }
0x29: {  	s4 =	sld [smem:$0x3FAE]  }
0x2a: {  	p0 =	seq.s32 s5, $0x0;
	s5 =	sld [smem:$0x3FAF]  }
0x2b: {  	s6 =	sld [smem:$0x3FB0]  }
0x2c: {  	s7 =	sld [smem:$0x3FB1]  }
0x2d: {  	s3 =	simm.s32 $0x108;
	s8 =	sld [smem:$0x3FB2]  }
0x2e: {  	s3 =	simm.s32 @!p0 $0x1082;
	s9 =	sld [smem:$0x3FB3]  }
0x2f: {  	lr =	sadd.s32 s0, s3;
	s0 =	sld [smem:$0x3FAA]  }
0x30: {  	s3 =	sld [smem:$0x3FAD]  }
0x31: {  	[smem:$0x3FB6] =	sst s10  }
0x32: {  	s10 =	sld [smem:$0x3FB4];
	_ =	sdelay $0x3  }
0x33: {  	p0 =	seq.s32 s10, $0x1;
	s10 =	sld [smem:$0x3FB6];
	_ =	sdelay $0x3  }
0x34: {  	[smem:$0x3FB6] =	sst s10  }
0x35: {  	s10 =	sld [smem:$0x3FB5];
	_ =	sdelay $0x3  }
0x36: {  	p1 =	seq.s32 s10, $0x1;
	s10 =	sld [smem:$0x3FB6];
	_ =	sdelay $0x3  }
0x37: {  	[smem:$0x3FB6] =	sst s10  }
0x38: {  	s10 =	sld [smem:$0x3FB7]  }
0x39: {  	_ = 	snop;
	(pc) =	sbr.ind lr, $3  }
0x3a: {  	_ = 	snop  }
0x3b: {  	_ = 	snop  }
0x3c: {  	p2 =	seq.s32 s10, $0x1;
	s10 =	sld [smem:$0x3FB6]  }
0x3d: {  	_ =	shalt  }
0x3e: {  	_ =	shalt  }
0x3f: {  	_ =	shalt  }
0x40: {  	_ =	shalt  }
0x41: {  	_ =	shalt  }
0x42: {  	_ =	shalt  }
0x43: {  	_ =	shalt  }
0x44: {  	_ =	shalt  }
0x45: {  	_ =	shalt  }
0x46: {  	_ =	shalt  }
0x47: {  	_ =	shalt  }
0x48: {  	_ =	shalt  }
0x49: {  	_ =	shalt  }
0x4a: {  	_ =	shalt  }
0x4b: {  	_ =	shalt  }
0x4c: {  	_ =	shalt  }
0x4d: {  	_ =	shalt  }
0x4e: {  	_ =	shalt  }
0x4f: {  	_ =	shalt  }
0x50: {  	_ =	shalt  }
0x51: {  	_ =	shalt  }
0x52: {  	_ =	shalt  }
0x53: {  	_ =	shalt  }
0x54: {  	_ =	shalt  }
0x55: {  	_ =	shalt  }
0x56: {  	_ =	shalt  }
0x57: {  	_ =	shalt  }
0x58: {  	_ =	shalt  }
0x59: {  	_ =	shalt  }
0x5a: {  	_ =	shalt  }
0x5b: {  	_ =	shalt  }
0x5c: {  	_ =	shalt  }
0x5d: {  	_ =	shalt  }
0x5e: {  	_ =	shalt  }
0x5f: {  	_ =	shalt  }
0x60: {  	_ =	shalt  }
0x61: {  	_ =	shalt  }
0x62: {  	_ =	shalt  }
0x63: {  	_ =	shalt  }
0x64: {  	_ =	shalt  }
0x65: {  	_ =	shalt  }
0x66: {  	_ =	shalt  }
0x67: {  	_ =	shalt  }
0x68: {  	_ =	shalt  }
0x69: {  	_ =	shalt  }
0x6a: {  	_ =	shalt  }
0x6b: {  	_ =	shalt  }
0x6c: {  	_ =	shalt  }
0x6d: {  	_ =	shalt  }
0x6e: {  	_ =	shalt  }
0x6f: {  	_ =	shalt  }
0x70: {  	_ =	shalt  }
0x71: {  	_ =	shalt  }
0x72: {  	_ =	shalt  }
0x73: {  	_ =	shalt  }
0x74: {  	_ =	shalt  }
0x75: {  	_ =	shalt  }
0x76: {  	_ =	shalt  }
0x77: {  	_ =	shalt  }
0x78: {  	_ =	shalt  }
0x79: {  	_ =	shalt  }
0x7a: {  	_ =	shalt  }
0x7b: {  	_ =	shalt  }
0x7c: {  	_ =	shalt  }
0x7d: {  	_ =	shalt  }
0x7e: {  	_ =	shalt  }
0x7f: {  	_ =	shalt  }
0x80: {  	_ =	shalt  }
0x81: {  	_ =	shalt  }
0x82: {  	_ =	shalt  }
0x83: {  	_ =	shalt  }
0x84: {  	_ =	shalt  }
0x85: {  	_ =	shalt  }
0x86: {  	_ =	shalt  }
0x87: {  	_ =	shalt  }
.Lfunc_end0:
.L_simem_size_0:
called_computation_lowered:
.L_overlay_start_0:
0x88: {  	s2 =	sld [smem:$0x3FD9]  }
0x89: {  	s3 =	sld [smem:$0x3FFE];
	_ =	sdelay $0x1  }
0x8a: {  	s1 =	srdreg.scid  }
0x8b: {  	s0 =	sand.u32 $0x1, s1  }
0x8c: {  	s17 =	sshll.u32 s0, $0xA;
	s2 =	sadd.s32 s3, s2  }
0x8d: {  	s2 =	sadd.s32 s2, s17  }
0x8e: {  	[smem:$0x3FC2] =	sst s2  }
0x8f: {  	_ = 	snop  }
0x90: {  	s2 =	sld [smem:$0x3FC8]  }
0x91: {  	s18 =	sld [smem:$0x3FD0];
	(tm) =	ssettm $0x1  }
0x92: {  	s4 =	sld [smem:$0x3FFB];
	_ =	sdelay $0x3  }
0x93: {  	_ =	strace s4  }
0x94: {  	s4 =	sld [smem:$0x3FFC];
	_ =	sdelay $0x3  }
0x95: {  	_ =	strace s4  }
0x96: {  	s4 =	sld [smem:$0x3FFD];
	_ =	sdelay $0x3  }
0x97: {  	_ =	strace s4  }
0x98: {  	_ =	strace $0x8FFFFFFF  }
0x99: {  	s19 =	sld [smem:$0x3FDB];
	_ =	sdelay $0x1  }
0x9a: {  	s5 =	simm.s32 $_scs_section_size  }
0x9b: {  	s6 =	simm.s32 $_size__tile_overlayer_lowered;
	s7 =	simm.s32 $_tile_overlayer_lowered  }
0x9c: {  	s22 =	simm.s32 $0x1BFF;
	s21 =	sshll.u32 s7, $0x1;
	s4 =	sadd.s32 s5, s19  }
0x9d: {  	s8 =	simm.s32 $0x0;
	s20 =	sshll.u32 s6, $0x1;
	s6 =	sadd.s32 s21, s4  }
0x9e: {  	[timem:s8], [sflag:s22] =	dma.local [hbm:s6], s20  }
0x9f: {  	_ =	swait.ge [sflag:s22], s20  }
0xa0: {  	s5 =	ssub.s32 $0x0, s20;
	[sflag:s22] =	ssyncset.done $0x0  }
0xa1: {  	[sflag:s22] =	ssyncadd.s32 s5;
	_ =	sdelay $0x1  }
0xa2: {  	s23 =	simm.s32 $0x1B8B  }
0xa3: {  	_ =	swait.ge [sflag:s23], $0x1  }
0xa4: {  	[sflag:s23] =	ssyncset.done $0x0  }
0xa5: {  	s25 =	simm.s32 $0x1B8E;
	s24 =	sld [smem:$0x3FFE];
	[sflag:s23] =	ssyncadd.s32 $0xFFFFFFFF  }
0xa6: {  	s26 =	simm.s32 $execute0_lowered;
	[smem:$0x3FD2] =	sst s25  }
0xa7: {  	s6 =	sshll.u32 s26, $0x1;
	_ =	strace $0x80000046;
	[dreg:$0x1] =	wrdreg $0xFFFFFFFF  }
0xa8: {  	s28 =	simm.s32 $_size_execute0_lowered;
	s4 =	sadd.s32 s4, s6;
	[dreg:$0x0] =	wrdreg $0x0  }
0xa9: {  	s6 =	sshll.u32 s28, $0x1;
	[dreg:$0x2] =	wrdreg s4  }
0xaa: {  	[dreg:$0x3] =	wrdreg s6  }
0xab: {  	[dreg:$0x4] =	wrdreg $0xC0  }
0xac: {  	_ =	task [dreg:s8], $0x5FFFF  }
0xad: {  	[dreg:$0x1] =	wrdreg $0xFFFFFFFF  }
0xae: {  	[dreg:$0x0] =	wrdreg $0x60  }
0xaf: {  	[dreg:$0x2] =	wrdreg s2  }
0xb0: {  	[dreg:$0x3] =	wrdreg s24  }
0xb1: {  	[dreg:$0x4] =	wrdreg s18  }
0xb2: {  	[dreg:$0x5] =	wrdreg $0x160000  }
0xb3: {  	[dreg:$0x6] =	wrdreg $0x9  }
0xb4: {  	_ =	task.clear_ibuf [dreg:s8], $0x7FFFF;
	_ =	strace $0x90000046  }
0xb5: {  	s29 =	simm.s32 $0x9;
	_ =	strace $0x80000048  }
0xb6: {  	_ =	swait.ge [sflag:s29], $0x1  }
0xb7: {  	[sflag:s29] =	ssyncadd.s32 $0xFFFFFFFF  }
0xb8: {  	_ =	strace $0x90000048  }
0xb9: {  	_ =	sfence  }
0xba: {  	s30 =	sld [smem:$0x0];
	_ =	sdelay $0x2  }
0xbb: {  	s31 =	sshll.u32 s1, $0xD;
	s1 =	sshrl.u32 s1, $0x2  }
0xbc: {  	s3 =	sand.u32 $0x4000, s31;
	s1 =	sadd.s32 s1, s30  }
0xbd: {  	s0 =	sor.u32 s3, s0;
	s1 =	sshll.u32 s1, $0x11  }
0xbe: {  	s0 =	sor.u32 s1, s0  }
0xbf: {  	s0 =	sadd.s32 $0x8F2B, s0  }
0xc0: {  	[sflag:s0] =	ssyncadd.remote.s32 $0x1  }
0xc1: {  	_ =	sfence.sel $0xFFFF  }
0xc2: {  	[dreg:$0x0] =	wrdreg $0xFFFFFFFF;
	(pc) =	sbr.abs _section_cstart, $3  }
0xc3: {  	[dreg:$0x1] =	wrdreg $0xFFFFFFFF  }
0xc4: {  	_ =	task.clear_ibuf [dreg:s8], $0x2FFFF;
	_ =	strace $0x9FFFFFFF  }
0xc5: {  	(tm) =	ssettm $0x7FFFFFFF  }
tec
execute0_lowered:
.L_overlay_start_1:
0x0: {  	(tag) =	ssettag $0x1  }
0x1: {  	s1 =	rddreg [dreg:$0x0]  }
0x2: {  	s0 =	rddreg [dreg:$0x1]  }
0x3: {  	s4 =	rddreg [dreg:$0x3];
	s2 =	srdreg.scid;
	s5 =	simm.s32 $0x0  }
0x4: {  	s7 =	stileid.u32;
	s11 =	simm.s32 $0x9;
	s12 =	simm.s32 $0x32  }
0x5: {  	s13 =	simm.s32 $0x8000;
	s17 =	simm.s32 $0xB800;
	s21 =	simm.s32 $0xF000  }
0x6: {  	s28 =	simm.s32 $0x14400;
	s30 =	simm.s32 $0x1;
	s31 =	simm.s32 $0x3  }
0x7: {  	s14 =	simm.s32 $0x0;
	s2 =	sand.u32 $0x1, s2;
	s3 =	sshll.u32 s7, $0xC  }
0x8: {  	[smem:$0x7FF] =	sst s5;
	s29 =	sshll.u32 s7, $0xE;
	s6 =	sshll.u32 s2, $0xB  }
0x9: {  	s2 =	ssub.s32 $0x2, s2;
	_ =	strace $0x80000047;
	s8 =	sadd.s32 s29, s4  }
.Ltmp0:
0xa: {  	s3 =	sor.u32 s6, s3;
	s25 =	sshrl.u32 s2, $0x1;
	(pc) =	sbr.rel .LBB2_1-.Ltmp0, $4  }
0xb: {  	s0 =	sadd.s32 s3, s0;
	s2 =	ssub.s32 s2, s25;
	s25 =	simm.s32 $0x12800  }
0xc: {  	s3 =	sadd.s32 $0x1000, s0;
	s26 =	sadd.s32 $0x11000, s0;
	s9 =	sadd.s32 $0x21000, s0  }
0xd: {  	s10 =	smax.u32 s2, $0x1;
	s0 =	simm.s32 $0x5;
	[dreg:$0x5] =	wrdreg s3  }
0xe: {  	s2 =	simm.s32 $0x7;
	[dreg:$0x6] =	wrdreg s26;
	s3 =	simm.s32 $0x8  }
.LBB2_4:
0xf: {  	_ =	swait.ge [sflag:s3], $0x1900  }
0x10: {  	[sflag:s3] =	ssyncset.done $0x0  }
0x11: {  	[sflag:s3] =	ssyncadd.s32 $0xFFFFE700  }
0x12: {  	[spmem:s4] =	stream.indirect.scatter.add.f32 [tilespmem:s28], [sflag:$0x9], $0x80, s20, s12, $0xb8;
	[tilespmem:$0x1A000] =	vst v63  }
0x13: {  	s14 =	sadd.s32 $0x1, s14;
	_ =	swait.ge [sflag:s11], $0x1900  }
0x14: {  	p0 =	sne.s32 s14, s10;
	[sflag:s11] =	ssyncset.done $0x0  }
.Ltmp1:
0x15: {  	[sflag:s11] =	ssyncadd.s32 $0xFFFFE700;
	(pc) =	sbr.rel @!p0 .LBB2_5-.Ltmp1, $4  }
0x16: {  	[hbm:s9], [sflag:s15] =	dma.local [spmem:s16], $0x800  }
0x17: {  	_ =	swait.ge [sflag:s11], $0x800  }
0x18: {  	[sflag:s11] =	ssyncset.done $0x0  }
0x19: {  	[sflag:s11] =	ssyncadd.s32 $0xFFFFF800  }
.LBB2_1:
0x1a: {  	s6 =	rddreg [dreg:$0x5]  }
0x1b: {  	[tilespmem:s5], [sflag:$0x9] =	stream.linear.gather [hbm4b:s6+s5], $0x4000, $0x38;
	[tilespmem:$0x1A000] =	vst v63  }
0x1c: {  	_ =	swait.ge [sflag:s11], $0x4000  }
0x1d: {  	[sflag:s11] =	ssyncset.done $0x0  }
0x1e: {  	[sflag:s11] =	ssyncadd.s32 $0xFFFFC000  }
0x1f: {  	[tilespmem:s13], [sflag:$0x1] =	stream.indirect.gather [hbm4b:s1+s12], $0x80, s5, s12, $0xb8;
	[tilespmem:$0x1A000] =	vst v63  }
0x20: {  	s26 =	simm.s32 $0x80;
	s7 =	simm.s32 $0x9C00  }
0x21: {  	[tilespmem:s7], [sflag:$0x2] =	stream.indirect.gather [hbm4b:s1+s12], $0x80, s26, s12, $0xb8;
	[tilespmem:$0x1A000] =	vst v63  }
0x22: {  	s29 =	simm.s32 $0x100  }
0x23: {  	[tilespmem:s17], [sflag:$0x3] =	stream.indirect.gather [hbm4b:s1+s12], $0x80, s29, s12, $0xb8;
	[tilespmem:$0x1A000] =	vst v63  }
0x24: {  	s15 =	simm.s32 $0xD400;
	s7 =	simm.s32 $0x180  }
0x25: {  	[tilespmem:s15], [sflag:$0x4] =	stream.indirect.gather [hbm4b:s1+s12], $0x80, s7, s12, $0xb8;
	[tilespmem:$0x1A000] =	vst v63  }
0x26: {  	s16 =	simm.s32 $0x200  }
0x27: {  	[tilespmem:s21], [sflag:$0x5] =	stream.indirect.gather [hbm4b:s1+s12], $0x80, s16, s12, $0xb8;
	[tilespmem:$0x1A000] =	vst v63  }
0x28: {  	s18 =	simm.s32 $0x280;
	s19 =	simm.s32 $0x10C00  }
0x29: {  	[tilespmem:s19], [sflag:$0x6] =	stream.indirect.gather [hbm4b:s1+s12], $0x80, s18, s12, $0xb8;
	[tilespmem:$0x1A000] =	vst v63  }
0x2a: {  	s20 =	simm.s32 $0x300  }
0x2b: {  	[tilespmem:s25], [sflag:$0x7] =	stream.indirect.gather [hbm4b:s1+s12], $0x80, s20, s12, $0xb8;
	[tilespmem:$0x1A000] =	vst v63  }
0x2c: {  	s22 =	simm.s32 $0x380  }
0x2d: {  	[tilespmem:s28], [sflag:$0x8] =	stream.indirect.gather [hbm4b:s1+s12], $0x80, s22, s12, $0xb8;
	[tilespmem:$0x1A000] =	vst v63  }
0x2e: {  	s24 =	simm.s32 $0x4000;
	s23 =	rddreg [dreg:$0x6]  }
0x2f: {  	[tilespmem:s24], [sflag:$0x9] =	stream.linear.gather [hbm4b:s23+s5], $0x4000, $0x38;
	[tilespmem:$0x1A000] =	vst v63  }
0x30: {  	_ =	swait.ge [sflag:s11], $0x4000  }
0x31: {  	s26 =	stileid.u32;
	[sflag:s11] =	ssyncset.done $0x0  }
0x32: {  	s15 =	sshll.u32 s26, $0x6;
	[sflag:s11] =	ssyncadd.s32 $0xFFFFC000  }
0x33: {  	s15 =	sor.u32 $0x1C09, s15;
	s16 =	sshrl.u32 s8, $0x3;
	s29 =	rddreg [dreg:$0x2]  }
0x34: {  	[spmem:s16], [sflag:s15] =	dma.local [hbm:s29], $0x800  }
0x35: {  	_ =	swait.ge [sflag:s11], $0x800  }
0x36: {  	[sflag:s11] =	ssyncset.done $0x0  }
0x37: {  	s18 =	simm.s32 $0x0;
	[sflag:s11] =	ssyncadd.s32 $0xFFFFF800  }
.LBB2_2:
0x38: {  	_ =	swait.ge [sflag:s30], $0x1900  }
0x39: {  	s19 =	sshra.s32 s18, $0x2;
	[sflag:s30] =	ssyncset.done $0x0  }
0x3a: {  	s20 =	sadd.s32 $0x4000, s19;
	[sflag:s30] =	ssyncadd.s32 $0xFFFFE700  }
0x3b: {  	[spmem:s4] =	stream.indirect.scatter.add.f32 [tilespmem:s13], [sflag:$0x9], $0x80, s20, s12, $0xb8;
	[tilespmem:$0x1A000] =	vst v63  }
0x3c: {  	_ =	swait.ge [sflag:s11], $0x1900  }
0x3d: {  	p0 =	seq.s32 s18, $0xF000;
	[sflag:s11] =	ssyncset.done $0x0  }
0x3e: {  	s20 =	simm.s32 @p0 $0x2;
	[sflag:s11] =	ssyncadd.s32 $0xFFFFE700  }
0x3f: {  	s23 =	sshra.s32 @p0 s18, $0x2;
	_ =	swait.ge @p0 [sflag:s20], $0x1900  }
0x40: {  	s24 =	simm.s32 @p0 $0x32;
	s22 =	simm.s32 @p0 $0x9C00;
	[sflag:s20] =	ssyncset.done @p0 $0x0  }
0x41: {  	s26 =	simm.s32 @p0 $0x9;
	[sflag:s20] =	ssyncadd.s32 @p0 $0xFFFFE700;
	s20 =	sadd.s32 @p0 $0x4080, s23  }
0x42: {  	[spmem:s4] =	stream.indirect.scatter.add.f32 @p0 [tilespmem:s22], [sflag:$0x9], $0x80, s20, s24, $0xb8;
	[tilespmem:$0x1A000] =	vst v63  }
0x43: {  	_ =	swait.ge @p0 [sflag:s26], $0x1900  }
0x44: {  	s6 =	simm.s32 @!p0 $0x8000;
	s20 =	sshra.s32 @!p0 s18, $0x2;
	[sflag:s26] =	ssyncset.done @p0 $0x0  }
0x45: {  	s22 =	simm.s32 @!p0 $0x32;
	s29 =	sadd.s32 @!p0 $0x400, s20;
	[sflag:s26] =	ssyncadd.s32 @p0 $0xFFFFE700  }
0x46: {  	[tilespmem:s6], [sflag:$0x1] =	stream.indirect.gather @!p0 [hbm4b:s1+s22], $0x80, s29, s22, $0xb8;
	[tilespmem:$0x1A000] =	vst v63  }
0x47: {  	s6 =	simm.s32 @!p0 $0x2  }
0x48: {  	_ =	swait.ge @!p0 [sflag:s6], $0x1900  }
0x49: {  	s7 =	simm.s32 @!p0 $0x9C00;
	[sflag:s6] =	ssyncset.done @!p0 $0x0  }
0x4a: {  	s29 =	simm.s32 @!p0 $0x9;
	[sflag:s6] =	ssyncadd.s32 @!p0 $0xFFFFE700;
	s6 =	sadd.s32 @!p0 $0x4080, s20  }
0x4b: {  	[spmem:s4] =	stream.indirect.scatter.add.f32 @!p0 [tilespmem:s7], [sflag:$0x9], $0x80, s6, s22, $0xb8;
	[tilespmem:$0x1A000] =	vst v63  }
0x4c: {  	_ =	swait.ge @!p0 [sflag:s29], $0x1900  }
0x4d: {  	[sflag:s29] =	ssyncset.done @!p0 $0x0  }
0x4e: {  	s6 =	sadd.s32 @!p0 $0x480, s20;
	[sflag:s29] =	ssyncadd.s32 @!p0 $0xFFFFE700  }
0x4f: {  	[tilespmem:s7], [sflag:$0x2] =	stream.indirect.gather @!p0 [hbm4b:s1+s22], $0x80, s6, s22, $0xb8;
	[tilespmem:$0x1A000] =	vst v63  }
0x50: {  	_ =	swait.ge [sflag:s31], $0x1900  }
0x51: {  	[sflag:s31] =	ssyncset.done $0x0  }
0x52: {  	s7 =	sadd.s32 $0x4100, s19;
	[sflag:s31] =	ssyncadd.s32 $0xFFFFE700  }
0x53: {  	[spmem:s4] =	stream.indirect.scatter.add.f32 [tilespmem:s17], [sflag:$0x9], $0x80, s7, s12, $0xb8;
	[tilespmem:$0x1A000] =	vst v63  }
0x54: {  	_ =	swait.ge [sflag:s11], $0x1900  }
0x55: {  	[sflag:s11] =	ssyncset.done $0x0  }
0x56: {  	s6 =	simm.s32 @p0 $0x4;
	[sflag:s11] =	ssyncadd.s32 $0xFFFFE700  }
0x57: {  	_ =	swait.ge @p0 [sflag:s6], $0x1900  }
0x58: {  	[sflag:s6] =	ssyncset.done @p0 $0x0  }
0x59: {  	s7 =	simm.s32 @p0 $0xD400;
	[sflag:s6] =	ssyncadd.s32 @p0 $0xFFFFE700;
	s6 =	sadd.s32 @p0 $0x4180, s23  }
0x5a: {  	[spmem:s4] =	stream.indirect.scatter.add.f32 @p0 [tilespmem:s7], [sflag:$0x9], $0x80, s6, s24, $0xb8;
	[tilespmem:$0x1A000] =	vst v63  }
0x5b: {  	_ =	swait.ge @p0 [sflag:s26], $0x1900  }
0x5c: {  	[sflag:s26] =	ssyncset.done @p0 $0x0  }
0x5d: {  	s6 =	sadd.s32 @!p0 $0x500, s20;
	s7 =	simm.s32 @!p0 $0xB800;
	[sflag:s26] =	ssyncadd.s32 @p0 $0xFFFFE700  }
0x5e: {  	[tilespmem:s7], [sflag:$0x3] =	stream.indirect.gather @!p0 [hbm4b:s1+s22], $0x80, s6, s22, $0xb8;
	[tilespmem:$0x1A000] =	vst v63  }
0x5f: {  	s6 =	simm.s32 @!p0 $0x4  }
0x60: {  	_ =	swait.ge @!p0 [sflag:s6], $0x1900  }
0x61: {  	[sflag:s6] =	ssyncset.done @!p0 $0x0  }
0x62: {  	s7 =	simm.s32 @!p0 $0xD400;
	[sflag:s6] =	ssyncadd.s32 @!p0 $0xFFFFE700;
	s6 =	sadd.s32 @!p0 $0x4180, s20  }
0x63: {  	[spmem:s4] =	stream.indirect.scatter.add.f32 @!p0 [tilespmem:s7], [sflag:$0x9], $0x80, s6, s22, $0xb8;
	[tilespmem:$0x1A000] =	vst v63  }
0x64: {  	_ =	swait.ge @!p0 [sflag:s29], $0x1900  }
0x65: {  	[sflag:s29] =	ssyncset.done @!p0 $0x0  }
0x66: {  	s6 =	sadd.s32 @!p0 $0x580, s20;
	[sflag:s29] =	ssyncadd.s32 @!p0 $0xFFFFE700  }
0x67: {  	[tilespmem:s7], [sflag:$0x4] =	stream.indirect.gather @!p0 [hbm4b:s1+s22], $0x80, s6, s22, $0xb8;
	[tilespmem:$0x1A000] =	vst v63  }
0x68: {  	_ =	swait.ge [sflag:s0], $0x1900  }
0x69: {  	[sflag:s0] =	ssyncset.done $0x0  }
0x6a: {  	s7 =	sadd.s32 $0x4200, s19;
	[sflag:s0] =	ssyncadd.s32 $0xFFFFE700  }
0x6b: {  	[spmem:s4] =	stream.indirect.scatter.add.f32 [tilespmem:s21], [sflag:$0x9], $0x80, s7, s12, $0xb8;
	[tilespmem:$0x1A000] =	vst v63  }
0x6c: {  	_ =	swait.ge [sflag:s11], $0x1900  }
0x6d: {  	[sflag:s11] =	ssyncset.done $0x0  }
0x6e: {  	s6 =	simm.s32 @p0 $0x6;
	[sflag:s11] =	ssyncadd.s32 $0xFFFFE700  }
0x6f: {  	_ =	swait.ge @p0 [sflag:s6], $0x1900  }
0x70: {  	[sflag:s6] =	ssyncset.done @p0 $0x0  }
0x71: {  	s7 =	simm.s32 @p0 $0x10C00;
	[sflag:s6] =	ssyncadd.s32 @p0 $0xFFFFE700;
	s6 =	sadd.s32 @p0 $0x4280, s23  }
0x72: {  	[spmem:s4] =	stream.indirect.scatter.add.f32 @p0 [tilespmem:s7], [sflag:$0x9], $0x80, s6, s24, $0xb8;
	[tilespmem:$0x1A000] =	vst v63  }
0x73: {  	_ =	swait.ge @p0 [sflag:s26], $0x1900  }
0x74: {  	[sflag:s26] =	ssyncset.done @p0 $0x0  }
0x75: {  	s6 =	sadd.s32 @!p0 $0x600, s20;
	s7 =	simm.s32 @!p0 $0xF000;
	[sflag:s26] =	ssyncadd.s32 @p0 $0xFFFFE700  }
0x76: {  	[tilespmem:s7], [sflag:$0x5] =	stream.indirect.gather @!p0 [hbm4b:s1+s22], $0x80, s6, s22, $0xb8;
	[tilespmem:$0x1A000] =	vst v63  }
0x77: {  	s6 =	simm.s32 @!p0 $0x6  }
0x78: {  	_ =	swait.ge @!p0 [sflag:s6], $0x1900  }
0x79: {  	[sflag:s6] =	ssyncset.done @!p0 $0x0  }
0x7a: {  	s7 =	simm.s32 @!p0 $0x10C00;
	[sflag:s6] =	ssyncadd.s32 @!p0 $0xFFFFE700;
	s6 =	sadd.s32 @!p0 $0x4280, s20  }
0x7b: {  	[spmem:s4] =	stream.indirect.scatter.add.f32 @!p0 [tilespmem:s7], [sflag:$0x9], $0x80, s6, s22, $0xb8;
	[tilespmem:$0x1A000] =	vst v63  }
0x7c: {  	_ =	swait.ge @!p0 [sflag:s29], $0x1900  }
0x7d: {  	[sflag:s29] =	ssyncset.done @!p0 $0x0  }
0x7e: {  	s6 =	sadd.s32 @!p0 $0x680, s20;
	[sflag:s29] =	ssyncadd.s32 @!p0 $0xFFFFE700  }
0x7f: {  	[tilespmem:s7], [sflag:$0x6] =	stream.indirect.gather @!p0 [hbm4b:s1+s22], $0x80, s6, s22, $0xb8;
	[tilespmem:$0x1A000] =	vst v63  }
0x80: {  	_ =	swait.ge [sflag:s2], $0x1900  }
0x81: {  	[sflag:s2] =	ssyncset.done $0x0  }
.Ltmp2:
0x82: {  	s29 =	sadd.s32 $0x4300, s19;
	[sflag:s2] =	ssyncadd.s32 $0xFFFFE700;
	(pc) =	sbr.rel @p0 .LBB2_4-.Ltmp2, $4  }
0x83: {  	[spmem:s4] =	stream.indirect.scatter.add.f32 [tilespmem:s25], [sflag:$0x9], $0x80, s29, s12, $0xb8;
	[tilespmem:$0x1A000] =	vst v63  }
0x84: {  	_ =	swait.ge [sflag:s11], $0x1900  }
0x85: {  	[sflag:s11] =	ssyncset.done $0x0  }
0x86: {  	s20 =	sadd.s32 $0x4380, s19;
	[sflag:s11] =	ssyncadd.s32 $0xFFFFE700  }
0x87: {  	s6 =	sadd.s32 $0x700, s19  }
0x88: {  	[tilespmem:s25], [sflag:$0x7] =	stream.indirect.gather [hbm4b:s1+s12], $0x80, s6, s12, $0xb8;
	[tilespmem:$0x1A000] =	vst v63  }
0x89: {  	_ =	swait.ge [sflag:s3], $0x1900  }
0x8a: {  	[sflag:s3] =	ssyncset.done $0x0  }
0x8b: {  	[sflag:s3] =	ssyncadd.s32 $0xFFFFE700  }
0x8c: {  	[spmem:s4] =	stream.indirect.scatter.add.f32 [tilespmem:s28], [sflag:$0x9], $0x80, s20, s12, $0xb8;
	[tilespmem:$0x1A000] =	vst v63  }
.Ltmp3:
0x8d: {  	_ = 	snop;
	(pc) =	sbr.rel .LBB2_2-.Ltmp3, $4  }
0x8e: {  	_ =	swait.ge [sflag:s11], $0x1900  }
0x8f: {  	[sflag:s11] =	ssyncset.done $0x0  }
0x90: {  	s29 =	sadd.s32 $0x780, s19;
	s18 =	sadd.s32 $0x1000, s18;
	[sflag:s11] =	ssyncadd.s32 $0xFFFFE700  }
0x91: {  	[tilespmem:s28], [sflag:$0x8] =	stream.indirect.gather [hbm4b:s1+s12], $0x80, s29, s12, $0xb8;
	[tilespmem:$0x1A000] =	vst v63  }
.LBB2_5:
0x92: {  	_ =	sfence.sel $0x180000  }
0x93: {  	[bflag:$0x0] =	sbarrier.arrive $0xFFFF  }
0x94: {  	_ =	strace $0x90000047  }
0x95: {  	s0 =	stileid.u32;
	[bflag:$0x2] =	sbarrier.arrive $0xFFFF  }
0x96: {  	p0 =	sne.s32 s0, $0x0;
	s0 =	rddreg [dreg:$0x4]  }
0x97: {  	s0 =	sadd.s32 @!p0 $0x100000, s0  }
0x98: {  	[sflag:s0] =	ssyncadd.tile.s32 @!p0 $0x1;
	_ =	shalt  }
.Lfunc_end2:
_tile_overlayer_lowered:
.L_overlay_start_2:
0x99: {  	(tag) =	ssettag $0x2  }
0x9a: {  	s0 =	rddreg [dreg:$0x0];
	s2 =	stileid.u32  }
0x9b: {  	s1 =	rddreg [dreg:$0x1];
	p0 =	sne.s32 s2, $0x0  }
0x9c: {  	s3 =	rddreg [dreg:$0x2];
	[bflag:$0x3] =	sbarrier.arrive $0xFFFF;
	s2 =	simm.s32 @!p0 $0x1C09  }
0x9d: {  	[timem:s3], [sflag:s2] =	dma.local @!p0 [hbm:s0], s1  }
0x9e: {  	s0 =	simm.s32 @!p0 $0x9  }
0x9f: {  	_ =	swait.ge @!p0 [sflag:s0], s1  }
0xa0: {  	s1 =	ssub.s32 @!p0 $0x0, s1;
	[sflag:s0] =	ssyncset.done @!p0 $0x0  }
0xa1: {  	[sflag:s0] =	ssyncadd.s32 @!p0 s1  }
0xa2: {  	[bflag:$0x3] =	sbarrier.arrive $0xFFFF  }
0xa3: {  	_ =	shalt  }

</sc_bundles>
